<compile_context>
chip_gen: v7x
topology: tpu7x:2x2x1
jax: 0.10.2.dev20260603
libtpu: 0.0.44.dev20260713+nightly
codegen_flags: <defaults>
</compile_context>

<pallas_src>
import functools

import jax
import jax.numpy as jnp
from jax import lax
from jax.experimental import pallas as pl
from jax.experimental.pallas import tpu as pltpu
from jax.experimental.pallas import tpu_sc as plsc

EPS_ = 1e-5
NC, NS, L = 2, 16, 16
NW = NC * NS
UNROLL = 8


def _make_sc_stats(n, d, chunk):
    tok_w = n // NW
    n_chunks = tok_w // chunk
    n_pairs = n_chunks // 2
    mesh = plsc.VectorSubcoreMesh(core_axis_name="c", subcore_axis_name="s")

    @functools.partial(
        pl.kernel,
        out_type=jax.ShapeDtypeStruct((NW, 3, d), jnp.float32),
        mesh=mesh,
        scratch_types=[
            pltpu.VMEM((chunk, d), jnp.float32),
            pltpu.VMEM((chunk, d), jnp.float32),
            pltpu.VMEM((tok_w,), jnp.float32),
            pltpu.VMEM((3, d), jnp.float32),
            pltpu.SemaphoreType.DMA,
            pltpu.SemaphoreType.DMA,
        ],
    )
    def stats(x_hbm, m_hbm, out_hbm, xb0, xb1, mbuf, acc, s0, s1):
        wid = lax.axis_index("s") * NC + lax.axis_index("c")
        base = wid * tok_w
        pltpu.sync_copy(m_hbm.at[pl.ds(base, tok_w)], mbuf)
        z = jnp.zeros((L,), jnp.float32)

        def zbody(j, _):
            for r in range(3):
                acc[r, pl.ds(j * L, L)] = z
            return 0

        lax.fori_loop(0, d // L, zbody, 0, unroll=UNROLL)

        def cnt_body(j, _):
            plsc.addupdate(acc.at[2, pl.ds(0, L)], mbuf[pl.ds(j * L, L)])
            return 0

        lax.fori_loop(0, tok_w // L, cnt_body, 0, unroll=UNROLL)

        def xslice(c):
            return x_hbm.at[pl.ds(base + c * chunk, chunk)]

        def process(buf, c):
            def grp_body(g, _):
                mv = mbuf[pl.ds(c * chunk + g * L, L)]
                for t16 in range(L):
                    t = g * L + t16

                    @pl.when(mv[t16] > 0.0)
                    def _():
                        @functools.partial(
                            plsc.parallel_loop, 0, d // L, unroll=UNROLL)
                        def _ch(j):
                            xv = buf[t, pl.ds(j * L, L)]
                            plsc.addupdate(acc.at[0, pl.ds(j * L, L)], xv)
                            plsc.addupdate(acc.at[1, pl.ds(j * L, L)], xv * xv)

                return 0

            lax.fori_loop(0, chunk // L, grp_body, 0)

        pltpu.async_copy(xslice(0), xb0, s0)

        def pair_body(i, _):
            c0 = 2 * i
            pltpu.async_copy(xslice(c0 + 1), xb1, s1)
            pltpu.make_async_copy(xslice(c0), xb0, s0).wait()
            process(xb0, c0)

            @pl.when(i < n_pairs - 1)
            def _():
                pltpu.async_copy(xslice(c0 + 2), xb0, s0)

            pltpu.make_async_copy(xslice(c0 + 1), xb1, s1).wait()
            process(xb1, c0 + 1)
            return 0

        lax.fori_loop(0, n_pairs, pair_body, 0)

        pltpu.sync_copy(acc, out_hbm.at[wid])

    return stats


def _sb_body(p_ref, g_ref, b_ref, os_ref, ob_ref):
    s = jnp.sum(p_ref[:, 0, :], axis=0, keepdims=True)
    s2 = jnp.sum(p_ref[:, 1, :], axis=0, keepdims=True)
    cnt = jnp.sum(p_ref[:, 2, :])
    mean = s / cnt
    var = s2 / cnt - mean * mean
    inv = lax.rsqrt(var + EPS_)
    scale = g_ref[...] * inv
    os_ref[...] = scale
    ob_ref[...] = b_ref[...] - mean * scale


def _make_sc_norm(n, d, chunk):
    tok_w = n // NW
    n_chunks = tok_w // chunk
    n_pairs = n_chunks // 2
    mesh = plsc.VectorSubcoreMesh(core_axis_name="c", subcore_axis_name="s")

    @functools.partial(
        pl.kernel,
        out_type=jax.ShapeDtypeStruct((n, d), jnp.float32),
        mesh=mesh,
        scratch_types=[
            pltpu.VMEM((chunk, d), jnp.float32),
            pltpu.VMEM((chunk, d), jnp.float32),
            pltpu.VMEM((tok_w,), jnp.float32),
            pltpu.VMEM((1, d), jnp.float32),
            pltpu.VMEM((1, d), jnp.float32),
            pltpu.SemaphoreType.DMA,
            pltpu.SemaphoreType.DMA,
            pltpu.SemaphoreType.DMA,
            pltpu.SemaphoreType.DMA,
        ],
    )
    def norm(x_hbm, m_hbm, s_hbm, b_hbm, out_hbm, b0, b1, mbuf, s_ref, b_ref,
             si0, si1, so0, so1):
        wid = lax.axis_index("s") * NC + lax.axis_index("c")
        base = wid * tok_w
        pltpu.sync_copy(s_hbm, s_ref)
        pltpu.sync_copy(b_hbm, b_ref)
        pltpu.sync_copy(m_hbm.at[pl.ds(base, tok_w)], mbuf)

        def xslice(c):
            return x_hbm.at[pl.ds(base + c * chunk, chunk)]

        def oslice(c):
            return out_hbm.at[pl.ds(base + c * chunk, chunk)]

        def process(buf, c):
            def grp_body(g, _):
                mv = mbuf[pl.ds(c * chunk + g * L, L)]
                for t16 in range(L):
                    t = g * L + t16

                    @pl.when(mv[t16] > 0.0)
                    def _():
                        @functools.partial(
                            plsc.parallel_loop, 0, d // L, unroll=UNROLL)
                        def _ch(j):
                            sl = pl.ds(j * L, L)
                            buf[t, sl] = buf[t, sl] * s_ref[0, sl] + b_ref[0, sl]

                return 0

            lax.fori_loop(0, chunk // L, grp_body, 0)

        pltpu.async_copy(xslice(0), b0, si0)

        def pair_body(i, _):
            c0 = 2 * i

            @pl.when(i > 0)
            def _():
                pltpu.make_async_copy(b1, oslice(c0 - 1), so1).wait()

            pltpu.async_copy(xslice(c0 + 1), b1, si1)
            pltpu.make_async_copy(xslice(c0), b0, si0).wait()
            process(b0, c0)
            pltpu.async_copy(b0, oslice(c0), so0)

            pltpu.make_async_copy(xslice(c0 + 1), b1, si1).wait()
            process(b1, c0 + 1)
            pltpu.async_copy(b1, oslice(c0 + 1), so1)

            @pl.when(i < n_pairs - 1)
            def _():
                pltpu.make_async_copy(b0, oslice(c0), so0).wait()
                pltpu.async_copy(xslice(c0 + 2), b0, si0)

            return 0

        lax.fori_loop(0, n_pairs, pair_body, 0)

        pltpu.make_async_copy(b0, oslice(n_chunks - 2), so0).wait()
        pltpu.make_async_copy(b1, oslice(n_chunks - 1), so1).wait()

    return norm


def kernel(x, mask, gamma, beta):
    b, s, d = x.shape
    n = b * s
    xf = x.reshape(n, d)
    mf = mask.reshape(n).astype(jnp.float32)
    chunk = 32

    partials = _make_sc_stats(n, d, chunk)(xf, mf)

    scale, bias = pl.pallas_call(
        _sb_body,
        in_specs=[
            pl.BlockSpec((NW, 3, d), lambda: (0, 0, 0)),
            pl.BlockSpec((1, d), lambda: (0, 0)),
            pl.BlockSpec((1, d), lambda: (0, 0)),
        ],
        out_specs=[
            pl.BlockSpec((1, d), lambda: (0, 0)),
            pl.BlockSpec((1, d), lambda: (0, 0)),
        ],
        out_shape=[
            jax.ShapeDtypeStruct((1, d), jnp.float32),
            jax.ShapeDtypeStruct((1, d), jnp.float32),
        ],
    )(partials, gamma.reshape(1, d), beta.reshape(1, d))

    out = _make_sc_norm(n, d, chunk)(xf, mf, scale, bias)
    return out.reshape(b, s, d)

# --- scband reference (transcript-rebuilt; emitter-appended) ---
"""Pipeline reference for scband-masked-batch-norm-33002528702687 (READ-ONLY COPY).

The authoritative reference and input builder live on the scoring server;
editing this copy changes nothing except your own understanding.
"""

import jax, jax.numpy as jnp
import numpy as np

B, S, D = 4, 8192, 1024
EPS = 1e-5

def setup_inputs(seed: int = 0) -> dict:
    key = jax.random.key(seed)
    k1, k2 = jax.random.split(key, 2)
    x = jax.random.normal(k1, (B, S, D), dtype=jnp.float32)
    mask = jax.random.randint(k2, (B, S), 0, 2).astype(bool)
    # nn.BatchNorm1d(dim) learned parameters: weight=1, bias=0 at init
    gamma = jnp.ones((D,), dtype=jnp.float32)
    beta = jnp.zeros((D,), dtype=jnp.float32)
    return {"x": x, "mask": mask, "gamma": gamma, "beta": beta}

def reference(x, mask, gamma, beta):
    # Faithful to MaskedBatchNorm.forward with channel_first=False and a [B,S] bool mask:
    #   x[mask] = self.bn(x[mask])
    # In training mode, BatchNorm1d normalizes the selected tokens [n_sel, D] using
    # batch statistics computed over the selected tokens only (biased variance),
    # then applies affine gamma/beta. Unselected positions pass through unchanged.
    m = mask.astype(x.dtype)[..., None]            # [B, S, 1]
    n = jnp.sum(m)                                  # scalar count of selected tokens
    mean = jnp.sum(x * m, axis=(0, 1)) / n          # [D]
    var = jnp.sum(((x - mean) ** 2) * m, axis=(0, 1)) / n  # [D] biased variance over masked tokens
    x_norm = (x - mean) / jnp.sqrt(var + EPS) * gamma + beta
    out = jnp.where(mask[..., None], x_norm, x)
    return out

if __name__ == "__main__":
    import jax
    _d = setup_inputs()
    print(jax.jit(kernel)(*tuple(_d.values())))

</pallas_src>

<mosaic_0001>
#map = affine_map<(d0, d1) -> (0, 0)>
#map1 = affine_map<(d0, d1) -> (0)>
#map2 = affine_map<(d0, d1) -> (0, 0, 0)>
module attributes {stable_mosaic.version = 14 : i64} {
  func.func @stats(%arg0: i32, %arg1: i32, %arg2: memref<32768x1024xf32, #tpu.memory_space<hbm>>, %arg3: memref<32768xf32, #tpu.memory_space<hbm>>, %arg4: memref<32x3x1024xf32, #tpu.memory_space<hbm>>, %arg5: memref<32x1024xf32, #tpu.memory_space<vmem>>, %arg6: memref<32x1024xf32, #tpu.memory_space<vmem>>, %arg7: memref<1024xf32, #tpu.memory_space<vmem>>, %arg8: memref<3x1024xf32, #tpu.memory_space<vmem>>, %arg9: memref<!tpu.dma_semaphore, #tpu.memory_space<semaphore_mem>>, %arg10: memref<!tpu.dma_semaphore, #tpu.memory_space<semaphore_mem>>) attributes {dimension_semantics = [#tpu.dimension_semantics<core_parallel>, #tpu.dimension_semantics<subcore_parallel>], iteration_bounds = array<i64: 2, 16>, scalar_prefetch = 0 : i64, scratch_operands = 6 : i64, tpu.core_type = #tpu.core_type<sc_vector_subcore>, window_params = [{transform_indices = #map}, {transform_indices = #map1}, {transform_indices = #map2}]} {
    %mul3A = arith.constant 2 : i32
    %mul3A_0 = arith.muli %arg1, %mul3A : i32
    %add3A = arith.addi %mul3A_0, %arg0 : i32
    %mul3A_1 = arith.constant 1024 : i32
    %mul3A_2 = arith.muli %add3A, %mul3A_1 : i32
    "tpu.region"() ({
      %run_scoped3A = tpu.sem_alloc : memref<!tpu.dma_semaphore, #tpu.memory_space<semaphore_mem>>
      %dma_start3A_29 = tpu.memref_slice %arg3[%mul3A_2] : memref<32768xf32, #tpu.memory_space<hbm>> -> memref<1024xf32, #tpu.memory_space<hbm>>
      %dma_start3A_30 = tpu.memref_slice %arg3[%mul3A_2] : memref<32768xf32, #tpu.memory_space<hbm>> -> memref<1024xf32, #tpu.memory_space<hbm>>
      tpu.enqueue_dma source(%dma_start3A_30 : memref<1024xf32, #tpu.memory_space<hbm>>) target(%arg7 : memref<1024xf32, #tpu.memory_space<vmem>>) target_semaphore(%run_scoped3A : memref<!tpu.dma_semaphore, #tpu.memory_space<semaphore_mem>>)
      %dma_wait3A = tpu.memref_slice %arg3[%mul3A_2] : memref<32768xf32, #tpu.memory_space<hbm>> -> memref<1024xf32, #tpu.memory_space<hbm>>
      %dma_wait3A_31 = tpu.memref_slice %arg3[%mul3A_2] : memref<32768xf32, #tpu.memory_space<hbm>> -> memref<1024xf32, #tpu.memory_space<hbm>>
      tpu.wait_dma2 semaphore(%run_scoped3A : memref<!tpu.dma_semaphore, #tpu.memory_space<semaphore_mem>>) src(%dma_wait3A_31 : memref<1024xf32, #tpu.memory_space<hbm>>) dst(%arg7 : memref<1024xf32, #tpu.memory_space<vmem>>)
      tpu.yield
    }) : () -> ()
    %broadcast_in_dim3A = arith.constant 0.000000e+00 : f32
    %broadcast_in_dim3A_3 = vector.broadcast %broadcast_in_dim3A : f32 to vector<16xf32>
    %scan3A = arith.constant 0 : i32
    %scan3A_4 = arith.constant 0 : i32
    %scan3A_5 = arith.constant 64 : i32
    %scan3A_6 = arith.addi %scan3A_4, %scan3A_5 : i32
    %scan3A_7 = arith.constant 8 : i32
    %scan3A_8 = scf.for %scan3A_29 = %scan3A_4 to %scan3A_6 step %scan3A_7 iter_args(%scan3A_30 = %scan3A) -> (i32)  : i32 {
      %mul3A_31 = arith.constant 16 : i32
      %mul3A_32 = arith.muli %scan3A_29, %mul3A_31 : i32
      %swap3A = arith.constant 0 : i32
      %swap3A_33 = arith.index_cast %swap3A : i32 to index
      %swap3A_34 = arith.index_cast %mul3A_32 : i32 to index
      %swap3A_35 = tpu.vector_load %arg8[%swap3A_33, %swap3A_34] {strides = array<i32>} : memref<3x1024xf32, #tpu.memory_space<vmem>>, vector<1x16xf32>,
      %swap3A_36 = vector.shape_cast %swap3A_35 : vector<1x16xf32> to vector<16xf32>
      %swap3A_37 = vector.shape_cast %broadcast_in_dim3A_3 : vector<16xf32> to vector<1x16xf32>
      tpu.vector_store %arg8[%swap3A_33, %swap3A_34], %swap3A_37 {strides = array<i32>} : memref<3x1024xf32, #tpu.memory_space<vmem>>, vector<1x16xf32>,
      %mul3A_38 = arith.constant 16 : i32
      %mul3A_39 = arith.muli %scan3A_29, %mul3A_38 : i32
      %swap3A_40 = arith.constant 1 : i32
      %swap3A_41 = arith.index_cast %swap3A_40 : i32 to index
      %swap3A_42 = arith.index_cast %mul3A_39 : i32 to index
      %swap3A_43 = tpu.vector_load %arg8[%swap3A_41, %swap3A_42] {strides = array<i32>} : memref<3x1024xf32, #tpu.memory_space<vmem>>, vector<1x16xf32>,
      %swap3A_44 = vector.shape_cast %swap3A_43 : vector<1x16xf32> to vector<16xf32>
      %swap3A_45 = vector.shape_cast %broadcast_in_dim3A_3 : vector<16xf32> to vector<1x16xf32>
      tpu.vector_store %arg8[%swap3A_41, %swap3A_42], %swap3A_45 {strides = array<i32>} : memref<3x1024xf32, #tpu.memory_space<vmem>>, vector<1x16xf32>,
      %mul3A_46 = arith.constant 16 : i32
      %mul3A_47 = arith.muli %scan3A_29, %mul3A_46 : i32
      %swap3A_48 = arith.constant 2 : i32
      %swap3A_49 = arith.index_cast %swap3A_48 : i32 to index
      %swap3A_50 = arith.index_cast %mul3A_47 : i32 to index
      %swap3A_51 = tpu.vector_load %arg8[%swap3A_49, %swap3A_50] {strides = array<i32>} : memref<3x1024xf32, #tpu.memory_space<vmem>>, vector<1x16xf32>,
      %swap3A_52 = vector.shape_cast %swap3A_51 : vector<1x16xf32> to vector<16xf32>
      %swap3A_53 = vector.shape_cast %broadcast_in_dim3A_3 : vector<16xf32> to vector<1x16xf32>
      tpu.vector_store %arg8[%swap3A_49, %swap3A_50], %swap3A_53 {strides = array<i32>} : memref<3x1024xf32, #tpu.memory_space<vmem>>, vector<1x16xf32>,
      %scan3A_54 = arith.constant 0 : i32
      %scan3A_55 = arith.constant 1 : i32
      %scan3A_56 = arith.addi %scan3A_29, %scan3A_55 : i32
      %mul3A_57 = arith.constant 16 : i32
      %mul3A_58 = arith.muli %scan3A_56, %mul3A_57 : i32
      %swap3A_59 = arith.constant 0 : i32
      %swap3A_60 = arith.index_cast %swap3A_59 : i32 to index
      %swap3A_61 = arith.index_cast %mul3A_58 : i32 to index
      %swap3A_62 = tpu.vector_load %arg8[%swap3A_60, %swap3A_61] {strides = array<i32>} : memref<3x1024xf32, #tpu.memory_space<vmem>>, vector<1x16xf32>,
      %swap3A_63 = vector.shape_cast %swap3A_62 : vector<1x16xf32> to vector<16xf32>
      %swap3A_64 = vector.shape_cast %broadcast_in_dim3A_3 : vector<16xf32> to vector<1x16xf32>
      tpu.vector_store %arg8[%swap3A_60, %swap3A_61], %swap3A_64 {strides = array<i32>} : memref<3x1024xf32, #tpu.memory_space<vmem>>, vector<1x16xf32>,
      %mul3A_65 = arith.constant 16 : i32
      %mul3A_66 = arith.muli %scan3A_56, %mul3A_65 : i32
      %swap3A_67 = arith.constant 1 : i32
      %swap3A_68 = arith.index_cast %swap3A_67 : i32 to index
      %swap3A_69 = arith.index_cast %mul3A_66 : i32 to index
      %swap3A_70 = tpu.vector_load %arg8[%swap3A_68, %swap3A_69] {strides = array<i32>} : memref<3x1024xf32, #tpu.memory_space<vmem>>, vector<1x16xf32>,
      %swap3A_71 = vector.shape_cast %swap3A_70 : vector<1x16xf32> to vector<16xf32>
      %swap3A_72 = vector.shape_cast %broadcast_in_dim3A_3 : vector<16xf32> to vector<1x16xf32>
      tpu.vector_store %arg8[%swap3A_68, %swap3A_69], %swap3A_72 {strides = array<i32>} : memref<3x1024xf32, #tpu.memory_space<vmem>>, vector<1x16xf32>,
      %mul3A_73 = arith.constant 16 : i32
      %mul3A_74 = arith.muli %scan3A_56, %mul3A_73 : i32
      %swap3A_75 = arith.constant 2 : i32
      %swap3A_76 = arith.index_cast %swap3A_75 : i32 to index
      %swap3A_77 = arith.index_cast %mul3A_74 : i32 to index
      %swap3A_78 = tpu.vector_load %arg8[%swap3A_76, %swap3A_77] {strides = array<i32>} : memref<3x1024xf32, #tpu.memory_space<vmem>>, vector<1x16xf32>,
      %swap3A_79 = vector.shape_cast %swap3A_78 : vector<1x16xf32> to vector<16xf32>
      %swap3A_80 = vector.shape_cast %broadcast_in_dim3A_3 : vector<16xf32> to vector<1x16xf32>
      tpu.vector_store %arg8[%swap3A_76, %swap3A_77], %swap3A_80 {strides = array<i32>} : memref<3x1024xf32, #tpu.memory_space<vmem>>, vector<1x16xf32>,
      %scan3A_81 = arith.constant 0 : i32
      %scan3A_82 = arith.constant 2 : i32
      %scan3A_83 = arith.addi %scan3A_29, %scan3A_82 : i32
      %mul3A_84 = arith.constant 16 : i32
      %mul3A_85 = arith.muli %scan3A_83, %mul3A_84 : i32
      %swap3A_86 = arith.constant 0 : i32
      %swap3A_87 = arith.index_cast %swap3A_86 : i32 to index
      %swap3A_88 = arith.index_cast %mul3A_85 : i32 to index
      %swap3A_89 = tpu.vector_load %arg8[%swap3A_87, %swap3A_88] {strides = array<i32>} : memref<3x1024xf32, #tpu.memory_space<vmem>>, vector<1x16xf32>,
      %swap3A_90 = vector.shape_cast %swap3A_89 : vector<1x16xf32> to vector<16xf32>
      %swap3A_91 = vector.shape_cast %broadcast_in_dim3A_3 : vector<16xf32> to vector<1x16xf32>
      tpu.vector_store %arg8[%swap3A_87, %swap3A_88], %swap3A_91 {strides = array<i32>} : memref<3x1024xf32, #tpu.memory_space<vmem>>, vector<1x16xf32>,
      %mul3A_92 = arith.constant 16 : i32
      %mul3A_93 = arith.muli %scan3A_83, %mul3A_92 : i32
      %swap3A_94 = arith.constant 1 : i32
      %swap3A_95 = arith.index_cast %swap3A_94 : i32 to index
      %swap3A_96 = arith.index_cast %mul3A_93 : i32 to index
      %swap3A_97 = tpu.vector_load %arg8[%swap3A_95, %swap3A_96] {strides = array<i32>} : memref<3x1024xf32, #tpu.memory_space<vmem>>, vector<1x16xf32>,
      %swap3A_98 = vector.shape_cast %swap3A_97 : vector<1x16xf32> to vector<16xf32>
      %swap3A_99 = vector.shape_cast %broadcast_in_dim3A_3 : vector<16xf32> to vector<1x16xf32>
      tpu.vector_store %arg8[%swap3A_95, %swap3A_96], %swap3A_99 {strides = array<i32>} : memref<3x1024xf32, #tpu.memory_space<vmem>>, vector<1x16xf32>,
      %mul3A_100 = arith.constant 16 : i32
      %mul3A_101 = arith.muli %scan3A_83, %mul3A_100 : i32
      %swap3A_102 = arith.constant 2 : i32
      %swap3A_103 = arith.index_cast %swap3A_102 : i32 to index
      %swap3A_104 = arith.index_cast %mul3A_101 : i32 to index
      %swap3A_105 = tpu.vector_load %arg8[%swap3A_103, %swap3A_104] {strides = array<i32>} : memref<3x1024xf32, #tpu.memory_space<vmem>>, vector<1x16xf32>,
      %swap3A_106 = vector.shape_cast %swap3A_105 : vector<1x16xf32> to vector<16xf32>
      %swap3A_107 = vector.shape_cast %broadcast_in_dim3A_3 : vector<16xf32> to vector<1x16xf32>
      tpu.vector_store %arg8[%swap3A_103, %swap3A_104], %swap3A_107 {strides = array<i32>} : memref<3x1024xf32, #tpu.memory_space<vmem>>, vector<1x16xf32>,
      %scan3A_108 = arith.constant 0 : i32
      %scan3A_109 = arith.constant 3 : i32
      %scan3A_110 = arith.addi %scan3A_29, %scan3A_109 : i32
      %mul3A_111 = arith.constant 16 : i32
      %mul3A_112 = arith.muli %scan3A_110, %mul3A_111 : i32
      %swap3A_113 = arith.constant 0 : i32
      %swap3A_114 = arith.index_cast %swap3A_113 : i32 to index
      %swap3A_115 = arith.index_cast %mul3A_112 : i32 to index
      %swap3A_116 = tpu.vector_load %arg8[%swap3A_114, %swap3A_115] {strides = array<i32>} : memref<3x1024xf32, #tpu.memory_space<vmem>>, vector<1x16xf32>,
      %swap3A_117 = vector.shape_cast %swap3A_116 : vector<1x16xf32> to vector<16xf32>
      %swap3A_118 = vector.shape_cast %broadcast_in_dim3A_3 : vector<16xf32> to vector<1x16xf32>
      tpu.vector_store %arg8[%swap3A_114, %swap3A_115], %swap3A_118 {strides = array<i32>} : memref<3x1024xf32, #tpu.memory_space<vmem>>, vector<1x16xf32>,
      %mul3A_119 = arith.constant 16 : i32
      %mul3A_120 = arith.muli %scan3A_110, %mul3A_119 : i32
      %swap3A_121 = arith.constant 1 : i32
      %swap3A_122 = arith.index_cast %swap3A_121 : i32 to index
      %swap3A_123 = arith.index_cast %mul3A_120 : i32 to index
      %swap3A_124 = tpu.vector_load %arg8[%swap3A_122, %swap3A_123] {strides = array<i32>} : memref<3x1024xf32, #tpu.memory_space<vmem>>, vector<1x16xf32>,
      %swap3A_125 = vector.shape_cast %swap3A_124 : vector<1x16xf32> to vector<16xf32>
      %swap3A_126 = vector.shape_cast %broadcast_in_dim3A_3 : vector<16xf32> to vector<1x16xf32>
      tpu.vector_store %arg8[%swap3A_122, %swap3A_123], %swap3A_126 {strides = array<i32>} : memref<3x1024xf32, #tpu.memory_space<vmem>>, vector<1x16xf32>,
      %mul3A_127 = arith.constant 16 : i32
      %mul3A_128 = arith.muli %scan3A_110, %mul3A_127 : i32
      %swap3A_129 = arith.constant 2 : i32
      %swap3A_130 = arith.index_cast %swap3A_129 : i32 to index
      %swap3A_131 = arith.index_cast %mul3A_128 : i32 to index
      %swap3A_132 = tpu.vector_load %arg8[%swap3A_130, %swap3A_131] {strides = array<i32>} : memref<3x1024xf32, #tpu.memory_space<vmem>>, vector<1x16xf32>,
      %swap3A_133 = vector.shape_cast %swap3A_132 : vector<1x16xf32> to vector<16xf32>
      %swap3A_134 = vector.shape_cast %broadcast_in_dim3A_3 : vector<16xf32> to vector<1x16xf32>
      tpu.vector_store %arg8[%swap3A_130, %swap3A_131], %swap3A_134 {strides = array<i32>} : memref<3x1024xf32, #tpu.memory_space<vmem>>, vector<1x16xf32>,
      %scan3A_135 = arith.constant 0 : i32
      %scan3A_136 = arith.constant 4 : i32
      %scan3A_137 = arith.addi %scan3A_29, %scan3A_136 : i32
      %mul3A_138 = arith.constant 16 : i32
      %mul3A_139 = arith.muli %scan3A_137, %mul3A_138 : i32
      %swap3A_140 = arith.constant 0 : i32
      %swap3A_141 = arith.index_cast %swap3A_140 : i32 to index
      %swap3A_142 = arith.index_cast %mul3A_139 : i32 to index
      %swap3A_143 = tpu.vector_load %arg8[%swap3A_141, %swap3A_142] {strides = array<i32>} : memref<3x1024xf32, #tpu.memory_space<vmem>>, vector<1x16xf32>,
      %swap3A_144 = vector.shape_cast %swap3A_143 : vector<1x16xf32> to vector<16xf32>
      %swap3A_145 = vector.shape_cast %broadcast_in_dim3A_3 : vector<16xf32> to vector<1x16xf32>
      tpu.vector_store %arg8[%swap3A_141, %swap3A_142], %swap3A_145 {strides = array<i32>} : memref<3x1024xf32, #tpu.memory_space<vmem>>, vector<1x16xf32>,
      %mul3A_146 = arith.constant 16 : i32
      %mul3A_147 = arith.muli %scan3A_137, %mul3A_146 : i32
      %swap3A_148 = arith.constant 1 : i32
      %swap3A_149 = arith.index_cast %swap3A_148 : i32 to index
      %swap3A_150 = arith.index_cast %mul3A_147 : i32 to index
      %swap3A_151 = tpu.vector_load %arg8[%swap3A_149, %swap3A_150] {strides = array<i32>} : memref<3x1024xf32, #tpu.memory_space<vmem>>, vector<1x16xf32>,
      %swap3A_152 = vector.shape_cast %swap3A_151 : vector<1x16xf32> to vector<16xf32>
      %swap3A_153 = vector.shape_cast %broadcast_in_dim3A_3 : vector<16xf32> to vector<1x16xf32>
      tpu.vector_store %arg8[%swap3A_149, %swap3A_150], %swap3A_153 {strides = array<i32>} : memref<3x1024xf32, #tpu.memory_space<vmem>>, vector<1x16xf32>,
      %mul3A_154 = arith.constant 16 : i32
      %mul3A_155 = arith.muli %scan3A_137, %mul3A_154 : i32
      %swap3A_156 = arith.constant 2 : i32
      %swap3A_157 = arith.index_cast %swap3A_156 : i32 to index
      %swap3A_158 = arith.index_cast %mul3A_155 : i32 to index
      %swap3A_159 = tpu.vector_load %arg8[%swap3A_157, %swap3A_158] {strides = array<i32>} : memref<3x1024xf32, #tpu.memory_space<vmem>>, vector<1x16xf32>,
      %swap3A_160 = vector.shape_cast %swap3A_159 : vector<1x16xf32> to vector<16xf32>
      %swap3A_161 = vector.shape_cast %broadcast_in_dim3A_3 : vector<16xf32> to vector<1x16xf32>
      tpu.vector_store %arg8[%swap3A_157, %swap3A_158], %swap3A_161 {strides = array<i32>} : memref<3x1024xf32, #tpu.memory_space<vmem>>, vector<1x16xf32>,
      %scan3A_162 = arith.constant 0 : i32
      %scan3A_163 = arith.constant 5 : i32
      %scan3A_164 = arith.addi %scan3A_29, %scan3A_163 : i32
      %mul3A_165 = arith.constant 16 : i32
      %mul3A_166 = arith.muli %scan3A_164, %mul3A_165 : i32
      %swap3A_167 = arith.constant 0 : i32
      %swap3A_168 = arith.index_cast %swap3A_167 : i32 to index
      %swap3A_169 = arith.index_cast %mul3A_166 : i32 to index
      %swap3A_170 = tpu.vector_load %arg8[%swap3A_168, %swap3A_169] {strides = array<i32>} : memref<3x1024xf32, #tpu.memory_space<vmem>>, vector<1x16xf32>,
      %swap3A_171 = vector.shape_cast %swap3A_170 : vector<1x16xf32> to vector<16xf32>
      %swap3A_172 = vector.shape_cast %broadcast_in_dim3A_3 : vector<16xf32> to vector<1x16xf32>
      tpu.vector_store %arg8[%swap3A_168, %swap3A_169], %swap3A_172 {strides = array<i32>} : memref<3x1024xf32, #tpu.memory_space<vmem>>, vector<1x16xf32>,
      %mul3A_173 = arith.constant 16 : i32
      %mul3A_174 = arith.muli %scan3A_164, %mul3A_173 : i32
      %swap3A_175 = arith.constant 1 : i32
      %swap3A_176 = arith.index_cast %swap3A_175 : i32 to index
      %swap3A_177 = arith.index_cast %mul3A_174 : i32 to index
      %swap3A_178 = tpu.vector_load %arg8[%swap3A_176, %swap3A_177] {strides = array<i32>} : memref<3x1024xf32, #tpu.memory_space<vmem>>, vector<1x16xf32>,
      %swap3A_179 = vector.shape_cast %swap3A_178 : vector<1x16xf32> to vector<16xf32>
      %swap3A_180 = vector.shape_cast %broadcast_in_dim3A_3 : vector<16xf32> to vector<1x16xf32>
      tpu.vector_store %arg8[%swap3A_176, %swap3A_177], %swap3A_180 {strides = array<i32>} : memref<3x1024xf32, #tpu.memory_space<vmem>>, vector<1x16xf32>,
      %mul3A_181 = arith.constant 16 : i32
      %mul3A_182 = arith.muli %scan3A_164, %mul3A_181 : i32
      %swap3A_183 = arith.constant 2 : i32
      %swap3A_184 = arith.index_cast %swap3A_183 : i32 to index
      %swap3A_185 = arith.index_cast %mul3A_182 : i32 to index
      %swap3A_186 = tpu.vector_load %arg8[%swap3A_184, %swap3A_185] {strides = array<i32>} : memref<3x1024xf32, #tpu.memory_space<vmem>>, vector<1x16xf32>,
      %swap3A_187 = vector.shape_cast %swap3A_186 : vector<1x16xf32> to vector<16xf32>
      %swap3A_188 = vector.shape_cast %broadcast_in_dim3A_3 : vector<16xf32> to vector<1x16xf32>
      tpu.vector_store %arg8[%swap3A_184, %swap3A_185], %swap3A_188 {strides = array<i32>} : memref<3x1024xf32, #tpu.memory_space<vmem>>, vector<1x16xf32>,
      %scan3A_189 = arith.constant 0 : i32
      %scan3A_190 = arith.constant 6 : i32
      %scan3A_191 = arith.addi %scan3A_29, %scan3A_190 : i32
      %mul3A_192 = arith.constant 16 : i32
      %mul3A_193 = arith.muli %scan3A_191, %mul3A_192 : i32
      %swap3A_194 = arith.constant 0 : i32
      %swap3A_195 = arith.index_cast %swap3A_194 : i32 to index
      %swap3A_196 = arith.index_cast %mul3A_193 : i32 to index
      %swap3A_197 = tpu.vector_load %arg8[%swap3A_195, %swap3A_196] {strides = array<i32>} : memref<3x1024xf32, #tpu.memory_space<vmem>>, vector<1x16xf32>,
      %swap3A_198 = vector.shape_cast %swap3A_197 : vector<1x16xf32> to vector<16xf32>
      %swap3A_199 = vector.shape_cast %broadcast_in_dim3A_3 : vector<16xf32> to vector<1x16xf32>
      tpu.vector_store %arg8[%swap3A_195, %swap3A_196], %swap3A_199 {strides = array<i32>} : memref<3x1024xf32, #tpu.memory_space<vmem>>, vector<1x16xf32>,
      %mul3A_200 = arith.constant 16 : i32
      %mul3A_201 = arith.muli %scan3A_191, %mul3A_200 : i32
      %swap3A_202 = arith.constant 1 : i32
      %swap3A_203 = arith.index_cast %swap3A_202 : i32 to index
      %swap3A_204 = arith.index_cast %mul3A_201 : i32 to index
      %swap3A_205 = tpu.vector_load %arg8[%swap3A_203, %swap3A_204] {strides = array<i32>} : memref<3x1024xf32, #tpu.memory_space<vmem>>, vector<1x16xf32>,
      %swap3A_206 = vector.shape_cast %swap3A_205 : vector<1x16xf32> to vector<16xf32>
      %swap3A_207 = vector.shape_cast %broadcast_in_dim3A_3 : vector<16xf32> to vector<1x16xf32>
      tpu.vector_store %arg8[%swap3A_203, %swap3A_204], %swap3A_207 {strides = array<i32>} : memref<3x1024xf32, #tpu.memory_space<vmem>>, vector<1x16xf32>,
      %mul3A_208 = arith.constant 16 : i32
      %mul3A_209 = arith.muli %scan3A_191, %mul3A_208 : i32
      %swap3A_210 = arith.constant 2 : i32
      %swap3A_211 = arith.index_cast %swap3A_210 : i32 to index
      %swap3A_212 = arith.index_cast %mul3A_209 : i32 to index
      %swap3A_213 = tpu.vector_load %arg8[%swap3A_211, %swap3A_212] {strides = array<i32>} : memref<3x1024xf32, #tpu.memory_space<vmem>>, vector<1x16xf32>,
      %swap3A_214 = vector.shape_cast %swap3A_213 : vector<1x16xf32> to vector<16xf32>
      %swap3A_215 = vector.shape_cast %broadcast_in_dim3A_3 : vector<16xf32> to vector<1x16xf32>
      tpu.vector_store %arg8[%swap3A_211, %swap3A_212], %swap3A_215 {strides = array<i32>} : memref<3x1024xf32, #tpu.memory_space<vmem>>, vector<1x16xf32>,
      %scan3A_216 = arith.constant 0 : i32
      %scan3A_217 = arith.constant 7 : i32
      %scan3A_218 = arith.addi %scan3A_29, %scan3A_217 : i32
      %mul3A_219 = arith.constant 16 : i32
      %mul3A_220 = arith.muli %scan3A_218, %mul3A_219 : i32
      %swap3A_221 = arith.constant 0 : i32
      %swap3A_222 = arith.index_cast %swap3A_221 : i32 to index
      %swap3A_223 = arith.index_cast %mul3A_220 : i32 to index
      %swap3A_224 = tpu.vector_load %arg8[%swap3A_222, %swap3A_223] {strides = array<i32>} : memref<3x1024xf32, #tpu.memory_space<vmem>>, vector<1x16xf32>,
      %swap3A_225 = vector.shape_cast %swap3A_224 : vector<1x16xf32> to vector<16xf32>
      %swap3A_226 = vector.shape_cast %broadcast_in_dim3A_3 : vector<16xf32> to vector<1x16xf32>
      tpu.vector_store %arg8[%swap3A_222, %swap3A_223], %swap3A_226 {strides = array<i32>} : memref<3x1024xf32, #tpu.memory_space<vmem>>, vector<1x16xf32>,
      %mul3A_227 = arith.constant 16 : i32
      %mul3A_228 = arith.muli %scan3A_218, %mul3A_227 : i32
      %swap3A_229 = arith.constant 1 : i32
      %swap3A_230 = arith.index_cast %swap3A_229 : i32 to index
      %swap3A_231 = arith.index_cast %mul3A_228 : i32 to index
      %swap3A_232 = tpu.vector_load %arg8[%swap3A_230, %swap3A_231] {strides = array<i32>} : memref<3x1024xf32, #tpu.memory_space<vmem>>, vector<1x16xf32>,
      %swap3A_233 = vector.shape_cast %swap3A_232 : vector<1x16xf32> to vector<16xf32>
      %swap3A_234 = vector.shape_cast %broadcast_in_dim3A_3 : vector<16xf32> to vector<1x16xf32>
      tpu.vector_store %arg8[%swap3A_230, %swap3A_231], %swap3A_234 {strides = array<i32>} : memref<3x1024xf32, #tpu.memory_space<vmem>>, vector<1x16xf32>,
      %mul3A_235 = arith.constant 16 : i32
      %mul3A_236 = arith.muli %scan3A_218, %mul3A_235 : i32
      %swap3A_237 = arith.constant 2 : i32
      %swap3A_238 = arith.index_cast %swap3A_237 : i32 to index
      %swap3A_239 = arith.index_cast %mul3A_236 : i32 to index
      %swap3A_240 = tpu.vector_load %arg8[%swap3A_238, %swap3A_239] {strides = array<i32>} : memref<3x1024xf32, #tpu.memory_space<vmem>>, vector<1x16xf32>,
      %swap3A_241 = vector.shape_cast %swap3A_240 : vector<1x16xf32> to vector<16xf32>
      %swap3A_242 = vector.shape_cast %broadcast_in_dim3A_3 : vector<16xf32> to vector<1x16xf32>
      tpu.vector_store %arg8[%swap3A_238, %swap3A_239], %swap3A_242 {strides = array<i32>} : memref<3x1024xf32, #tpu.memory_space<vmem>>, vector<1x16xf32>,
      %scan3A_243 = arith.constant 0 : i32
      scf.yield %scan3A_243 : i32
    }
    %scan3A_9 = arith.constant 64 : i32
    %scan3A_10 = arith.constant 0 : i32
    %scan3A_11 = arith.constant 0 : i32
    %scan3A_12 = arith.constant 64 : i32
    %scan3A_13 = arith.addi %scan3A_11, %scan3A_12 : i32
    %scan3A_14 = arith.constant 8 : i32
    %scan3A_15 = scf.for %scan3A_29 = %scan3A_11 to %scan3A_13 step %scan3A_14 iter_args(%scan3A_30 = %scan3A_10) -> (i32)  : i32 {
      %mul3A_31 = arith.constant 16 : i32
      %mul3A_32 = arith.muli %scan3A_29, %mul3A_31 : i32
      %get3A = arith.index_cast %mul3A_32 : i32 to index
      %get3A_33 = tpu.vector_load %arg7[%get3A] {strides = array<i32>} : memref<1024xf32, #tpu.memory_space<vmem>>, vector<16xf32>,
      %get3A_34 = vector.shape_cast %get3A_33 : vector<16xf32> to vector<16xf32>
      %swap3A = arith.constant 2 : i32
      %swap3A_35 = arith.index_cast %swap3A : i32 to index
      %swap3A_36 = arith.constant 0 : index
      %swap3A_37 = tpu.vector_load %arg8[%swap3A_35, %swap3A_36] {strides = array<i32>} : memref<3x1024xf32, #tpu.memory_space<vmem>>, vector<1x16xf32>,
      %swap3A_38 = vector.shape_cast %swap3A_37 : vector<1x16xf32> to vector<16xf32>
      %swap3A_39 = vector.shape_cast %get3A_34 : vector<16xf32> to vector<1x16xf32>
      tpu.vector_store %arg8[%swap3A_35, %swap3A_36], %swap3A_39 {add = true, strides = array<i32>} : memref<3x1024xf32, #tpu.memory_space<vmem>>, vector<1x16xf32>,
      %scan3A_40 = arith.constant 0 : i32
      %scan3A_41 = arith.constant 1 : i32
      %scan3A_42 = arith.addi %scan3A_29, %scan3A_41 : i32
      %mul3A_43 = arith.constant 16 : i32
      %mul3A_44 = arith.muli %scan3A_42, %mul3A_43 : i32
      %get3A_45 = arith.index_cast %mul3A_44 : i32 to index
      %get3A_46 = tpu.vector_load %arg7[%get3A_45] {strides = array<i32>} : memref<1024xf32, #tpu.memory_space<vmem>>, vector<16xf32>,
      %get3A_47 = vector.shape_cast %get3A_46 : vector<16xf32> to vector<16xf32>
      %swap3A_48 = arith.constant 2 : i32
      %swap3A_49 = arith.index_cast %swap3A_48 : i32 to index
      %swap3A_50 = arith.constant 0 : index
      %swap3A_51 = tpu.vector_load %arg8[%swap3A_49, %swap3A_50] {strides = array<i32>} : memref<3x1024xf32, #tpu.memory_space<vmem>>, vector<1x16xf32>,
      %swap3A_52 = vector.shape_cast %swap3A_51 : vector<1x16xf32> to vector<16xf32>
      %swap3A_53 = vector.shape_cast %get3A_47 : vector<16xf32> to vector<1x16xf32>
      tpu.vector_store %arg8[%swap3A_49, %swap3A_50], %swap3A_53 {add = true, strides = array<i32>} : memref<3x1024xf32, #tpu.memory_space<vmem>>, vector<1x16xf32>,
      %scan3A_54 = arith.constant 0 : i32
      %scan3A_55 = arith.constant 2 : i32
      %scan3A_56 = arith.addi %scan3A_29, %scan3A_55 : i32
      %mul3A_57 = arith.constant 16 : i32
      %mul3A_58 = arith.muli %scan3A_56, %mul3A_57 : i32
      %get3A_59 = arith.index_cast %mul3A_58 : i32 to index
      %get3A_60 = tpu.vector_load %arg7[%get3A_59] {strides = array<i32>} : memref<1024xf32, #tpu.memory_space<vmem>>, vector<16xf32>,
      %get3A_61 = vector.shape_cast %get3A_60 : vector<16xf32> to vector<16xf32>
      %swap3A_62 = arith.constant 2 : i32
      %swap3A_63 = arith.index_cast %swap3A_62 : i32 to index
      %swap3A_64 = arith.constant 0 : index
      %swap3A_65 = tpu.vector_load %arg8[%swap3A_63, %swap3A_64] {strides = array<i32>} : memref<3x1024xf32, #tpu.memory_space<vmem>>, vector<1x16xf32>,
      %swap3A_66 = vector.shape_cast %swap3A_65 : vector<1x16xf32> to vector<16xf32>
      %swap3A_67 = vector.shape_cast %get3A_61 : vector<16xf32> to vector<1x16xf32>
      tpu.vector_store %arg8[%swap3A_63, %swap3A_64], %swap3A_67 {add = true, strides = array<i32>} : memref<3x1024xf32, #tpu.memory_space<vmem>>, vector<1x16xf32>,
      %scan3A_68 = arith.constant 0 : i32
      %scan3A_69 = arith.constant 3 : i32
      %scan3A_70 = arith.addi %scan3A_29, %scan3A_69 : i32
      %mul3A_71 = arith.constant 16 : i32
      %mul3A_72 = arith.muli %scan3A_70, %mul3A_71 : i32
      %get3A_73 = arith.index_cast %mul3A_72 : i32 to index
      %get3A_74 = tpu.vector_load %arg7[%get3A_73] {strides = array<i32>} : memref<1024xf32, #tpu.memory_space<vmem>>, vector<16xf32>,
      %get3A_75 = vector.shape_cast %get3A_74 : vector<16xf32> to vector<16xf32>
      %swap3A_76 = arith.constant 2 : i32
      %swap3A_77 = arith.index_cast %swap3A_76 : i32 to index
      %swap3A_78 = arith.constant 0 : index
      %swap3A_79 = tpu.vector_load %arg8[%swap3A_77, %swap3A_78] {strides = array<i32>} : memref<3x1024xf32, #tpu.memory_space<vmem>>, vector<1x16xf32>,
      %swap3A_80 = vector.shape_cast %swap3A_79 : vector<1x16xf32> to vector<16xf32>
      %swap3A_81 = vector.shape_cast %get3A_75 : vector<16xf32> to vector<1x16xf32>
      tpu.vector_store %arg8[%swap3A_77, %swap3A_78], %swap3A_81 {add = true, strides = array<i32>} : memref<3x1024xf32, #tpu.memory_space<vmem>>, vector<1x16xf32>,
      %scan3A_82 = arith.constant 0 : i32
      %scan3A_83 = arith.constant 4 : i32
      %scan3A_84 = arith.addi %scan3A_29, %scan3A_83 : i32
      %mul3A_85 = arith.constant 16 : i32
      %mul3A_86 = arith.muli %scan3A_84, %mul3A_85 : i32
      %get3A_87 = arith.index_cast %mul3A_86 : i32 to index
      %get3A_88 = tpu.vector_load %arg7[%get3A_87] {strides = array<i32>} : memref<1024xf32, #tpu.memory_space<vmem>>, vector<16xf32>,
      %get3A_89 = vector.shape_cast %get3A_88 : vector<16xf32> to vector<16xf32>
      %swap3A_90 = arith.constant 2 : i32
      %swap3A_91 = arith.index_cast %swap3A_90 : i32 to index
      %swap3A_92 = arith.constant 0 : index
      %swap3A_93 = tpu.vector_load %arg8[%swap3A_91, %swap3A_92] {strides = array<i32>} : memref<3x1024xf32, #tpu.memory_space<vmem>>, vector<1x16xf32>,
      %swap3A_94 = vector.shape_cast %swap3A_93 : vector<1x16xf32> to vector<16xf32>
      %swap3A_95 = vector.shape_cast %get3A_89 : vector<16xf32> to vector<1x16xf32>
      tpu.vector_store %arg8[%swap3A_91, %swap3A_92], %swap3A_95 {add = true, strides = array<i32>} : memref<3x1024xf32, #tpu.memory_space<vmem>>, vector<1x16xf32>,
      %scan3A_96 = arith.constant 0 : i32
      %scan3A_97 = arith.constant 5 : i32
      %scan3A_98 = arith.addi %scan3A_29, %scan3A_97 : i32
      %mul3A_99 = arith.constant 16 : i32
      %mul3A_100 = arith.muli %scan3A_98, %mul3A_99 : i32
      %get3A_101 = arith.index_cast %mul3A_100 : i32 to index
      %get3A_102 = tpu.vector_load %arg7[%get3A_101] {strides = array<i32>} : memref<1024xf32, #tpu.memory_space<vmem>>, vector<16xf32>,
      %get3A_103 = vector.shape_cast %get3A_102 : vector<16xf32> to vector<16xf32>
      %swap3A_104 = arith.constant 2 : i32
      %swap3A_105 = arith.index_cast %swap3A_104 : i32 to index
      %swap3A_106 = arith.constant 0 : index
      %swap3A_107 = tpu.vector_load %arg8[%swap3A_105, %swap3A_106] {strides = array<i32>} : memref<3x1024xf32, #tpu.memory_space<vmem>>, vector<1x16xf32>,
      %swap3A_108 = vector.shape_cast %swap3A_107 : vector<1x16xf32> to vector<16xf32>
      %swap3A_109 = vector.shape_cast %get3A_103 : vector<16xf32> to vector<1x16xf32>
      tpu.vector_store %arg8[%swap3A_105, %swap3A_106], %swap3A_109 {add = true, strides = array<i32>} : memref<3x1024xf32, #tpu.memory_space<vmem>>, vector<1x16xf32>,
      %scan3A_110 = arith.constant 0 : i32
      %scan3A_111 = arith.constant 6 : i32
      %scan3A_112 = arith.addi %scan3A_29, %scan3A_111 : i32
      %mul3A_113 = arith.constant 16 : i32
      %mul3A_114 = arith.muli %scan3A_112, %mul3A_113 : i32
      %get3A_115 = arith.index_cast %mul3A_114 : i32 to index
      %get3A_116 = tpu.vector_load %arg7[%get3A_115] {strides = array<i32>} : memref<1024xf32, #tpu.memory_space<vmem>>, vector<16xf32>,
      %get3A_117 = vector.shape_cast %get3A_116 : vector<16xf32> to vector<16xf32>
      %swap3A_118 = arith.constant 2 : i32
      %swap3A_119 = arith.index_cast %swap3A_118 : i32 to index
      %swap3A_120 = arith.constant 0 : index
      %swap3A_121 = tpu.vector_load %arg8[%swap3A_119, %swap3A_120] {strides = array<i32>} : memref<3x1024xf32, #tpu.memory_space<vmem>>, vector<1x16xf32>,
      %swap3A_122 = vector.shape_cast %swap3A_121 : vector<1x16xf32> to vector<16xf32>
      %swap3A_123 = vector.shape_cast %get3A_117 : vector<16xf32> to vector<1x16xf32>
      tpu.vector_store %arg8[%swap3A_119, %swap3A_120], %swap3A_123 {add = true, strides = array<i32>} : memref<3x1024xf32, #tpu.memory_space<vmem>>, vector<1x16xf32>,
      %scan3A_124 = arith.constant 0 : i32
      %scan3A_125 = arith.constant 7 : i32
      %scan3A_126 = arith.addi %scan3A_29, %scan3A_125 : i32
      %mul3A_127 = arith.constant 16 : i32
      %mul3A_128 = arith.muli %scan3A_126, %mul3A_127 : i32
      %get3A_129 = arith.index_cast %mul3A_128 : i32 to index
      %get3A_130 = tpu.vector_load %arg7[%get3A_129] {strides = array<i32>} : memref<1024xf32, #tpu.memory_space<vmem>>, vector<16xf32>,
      %get3A_131 = vector.shape_cast %get3A_130 : vector<16xf32> to vector<16xf32>
      %swap3A_132 = arith.constant 2 : i32
      %swap3A_133 = arith.index_cast %swap3A_132 : i32 to index
      %swap3A_134 = arith.constant 0 : index
      %swap3A_135 = tpu.vector_load %arg8[%swap3A_133, %swap3A_134] {strides = array<i32>} : memref<3x1024xf32, #tpu.memory_space<vmem>>, vector<1x16xf32>,
      %swap3A_136 = vector.shape_cast %swap3A_135 : vector<1x16xf32> to vector<16xf32>
      %swap3A_137 = vector.shape_cast %get3A_131 : vector<16xf32> to vector<1x16xf32>
      tpu.vector_store %arg8[%swap3A_133, %swap3A_134], %swap3A_137 {add = true, strides = array<i32>} : memref<3x1024xf32, #tpu.memory_space<vmem>>, vector<1x16xf32>,
      %scan3A_138 = arith.constant 0 : i32
      scf.yield %scan3A_138 : i32
    }
    %scan3A_16 = arith.constant 64 : i32
    %add3A_17 = arith.constant 0 : i32
    %add3A_18 = arith.addi %mul3A_2, %add3A_17 : i32
    %dma_start3A = arith.constant 0 : i32
    %dma_start3A_19 = tpu.memref_slice %arg2[%add3A_18, %dma_start3A] : memref<32768x1024xf32, #tpu.memory_space<hbm>> -> memref<32x1024xf32, #tpu.memory_space<hbm>>
    %dma_start3A_20 = arith.constant 0 : i32
    %dma_start3A_21 = tpu.memref_slice %arg2[%add3A_18, %dma_start3A_20] : memref<32768x1024xf32, #tpu.memory_space<hbm>> -> memref<32x1024xf32, #tpu.memory_space<hbm>>
    tpu.enqueue_dma source(%dma_start3A_21 : memref<32x1024xf32, #tpu.memory_space<hbm>>) target(%arg5 : memref<32x1024xf32, #tpu.memory_space<vmem>>) target_semaphore(%arg9 : memref<!tpu.dma_semaphore, #tpu.memory_space<semaphore_mem>>)
    %scan3A_22 = arith.constant 0 : i32
    %scan3A_23 = arith.constant 0 : i32
    %scan3A_24 = arith.constant 16 : i32
    %scan3A_25 = arith.addi %scan3A_23, %scan3A_24 : i32
    %scan3A_26 = arith.constant 1 : i32
    %scan3A_27 = scf.for %scan3A_29 = %scan3A_23 to %scan3A_25 step %scan3A_26 iter_args(%scan3A_30 = %scan3A_22) -> (i32)  : i32 {
      %mul3A_31 = arith.constant 2 : i32
      %mul3A_32 = arith.muli %mul3A_31, %scan3A_29 : i32
      %add3A_33 = arith.constant 1 : i32
      %add3A_34 = arith.addi %mul3A_32, %add3A_33 : i32
      %mul3A_35 = arith.constant 32 : i32
      %mul3A_36 = arith.muli %add3A_34, %mul3A_35 : i32
      %add3A_37 = arith.addi %mul3A_2, %mul3A_36 : i32
      %dma_start3A_38 = arith.constant 0 : i32
      %dma_start3A_39 = tpu.memref_slice %arg2[%add3A_37, %dma_start3A_38] : memref<32768x1024xf32, #tpu.memory_space<hbm>> -> memref<32x1024xf32, #tpu.memory_space<hbm>>
      %dma_start3A_40 = arith.constant 0 : i32
      %dma_start3A_41 = tpu.memref_slice %arg2[%add3A_37, %dma_start3A_40] : memref<32768x1024xf32, #tpu.memory_space<hbm>> -> memref<32x1024xf32, #tpu.memory_space<hbm>>
      tpu.enqueue_dma source(%dma_start3A_41 : memref<32x1024xf32, #tpu.memory_space<hbm>>) target(%arg6 : memref<32x1024xf32, #tpu.memory_space<vmem>>) target_semaphore(%arg10 : memref<!tpu.dma_semaphore, #tpu.memory_space<semaphore_mem>>)
      %mul3A_42 = arith.constant 32 : i32
      %mul3A_43 = arith.muli %mul3A_32, %mul3A_42 : i32
      %add3A_44 = arith.addi %mul3A_2, %mul3A_43 : i32
      %dma_wait3A = arith.constant 0 : i32
      %dma_wait3A_45 = tpu.memref_slice %arg2[%add3A_44, %dma_wait3A] : memref<32768x1024xf32, #tpu.memory_space<hbm>> -> memref<32x1024xf32, #tpu.memory_space<hbm>>
      %dma_wait3A_46 = arith.constant 0 : i32
      %dma_wait3A_47 = tpu.memref_slice %arg2[%add3A_44, %dma_wait3A_46] : memref<32768x1024xf32, #tpu.memory_space<hbm>> -> memref<32x1024xf32, #tpu.memory_space<hbm>>
      tpu.wait_dma2 semaphore(%arg9 : memref<!tpu.dma_semaphore, #tpu.memory_space<semaphore_mem>>) src(%dma_wait3A_47 : memref<32x1024xf32, #tpu.memory_space<hbm>>) dst(%arg5 : memref<32x1024xf32, #tpu.memory_space<vmem>>)
      %scan3A_48 = arith.constant 0 : i32
      %scan3A_49 = arith.constant 0 : i32
      %scan3A_50 = arith.constant 2 : i32
      %scan3A_51 = arith.addi %scan3A_49, %scan3A_50 : i32
      %scan3A_52 = arith.constant 1 : i32
      %scan3A_53 = scf.for %scan3A_76 = %scan3A_49 to %scan3A_51 step %scan3A_52 iter_args(%scan3A_77 = %scan3A_48) -> (i32)  : i32 {
        %mul3A_78 = arith.constant 32 : i32
        %mul3A_79 = arith.muli %mul3A_32, %mul3A_78 : i32
        %mul3A_80 = arith.constant 16 : i32
        %mul3A_81 = arith.muli %scan3A_76, %mul3A_80 : i32
        %add3A_82 = arith.addi %mul3A_79, %mul3A_81 : i32
        %get3A = arith.index_cast %add3A_82 : i32 to index
        %get3A_83 = tpu.vector_load %arg7[%get3A] {strides = array<i32>} : memref<1024xf32, #tpu.memory_space<vmem>>, vector<16xf32>,
        %get3A_84 = vector.shape_cast %get3A_83 : vector<16xf32> to vector<16xf32>
        %mul3A_85 = arith.constant 16 : i32
        %mul3A_86 = arith.muli %scan3A_76, %mul3A_85 : i32
        %add3A_87 = arith.constant 0 : i32
        %add3A_88 = arith.addi %mul3A_86, %add3A_87 : i32
        %slice3A = vector.extract_strided_slice %get3A_84 {offsets = [0], sizes = [1], strides = [1]} : vector<16xf32> to vector<1xf32>
        %squeeze3A = vector.extract %slice3A[0] : f32 from vector<1xf32>
        %gt3A = arith.constant 0.000000e+00 : f32
        %gt3A_89 = arith.cmpf ogt, %squeeze3A, %gt3A : f32
        %convert_element_type3A_90 = arith.extui %gt3A_89 : i1 to i32
        %cond3A_91 = arith.constant 0 : i32
        %cond3A_92 = arith.cmpi ne, %convert_element_type3A_90, %cond3A_91 : i32
        scf.if %cond3A_92 {
        } else {
        }
        %mul3A_93 = arith.constant 16 : i32
        %mul3A_94 = arith.muli %scan3A_76, %mul3A_93 : i32
        %add3A_95 = arith.constant 1 : i32
        %add3A_96 = arith.addi %mul3A_94, %add3A_95 : i32
        %slice3A_97 = vector.extract_strided_slice %get3A_84 {offsets = [1], sizes = [1], strides = [1]} : vector<16xf32> to vector<1xf32>
        %squeeze3A_98 = vector.extract %slice3A_97[0] : f32 from vector<1xf32>
        %gt3A_99 = arith.constant 0.000000e+00 : f32
        %gt3A_100 = arith.cmpf ogt, %squeeze3A_98, %gt3A_99 : f32
        %convert_element_type3A_101 = arith.extui %gt3A_100 : i1 to i32
        %cond3A_102 = arith.constant 0 : i32
        %cond3A_103 = arith.cmpi ne, %convert_element_type3A_101, %cond3A_102 : i32
        scf.if %cond3A_103 {
        } else {
        }
        %mul3A_104 = arith.constant 16 : i32
        %mul3A_105 = arith.muli %scan3A_76, %mul3A_104 : i32
        %add3A_106 = arith.constant 2 : i32
        %add3A_107 = arith.addi %mul3A_105, %add3A_106 : i32
        %slice3A_108 = vector.extract_strided_slice %get3A_84 {offsets = [2], sizes = [1], strides = [1]} : vector<16xf32> to vector<1xf32>
        %squeeze3A_109 = vector.extract %slice3A_108[0] : f32 from vector<1xf32>
        %gt3A_110 = arith.constant 0.000000e+00 : f32
        %gt3A_111 = arith.cmpf ogt, %squeeze3A_109, %gt3A_110 : f32
        %convert_element_type3A_112 = arith.extui %gt3A_111 : i1 to i32
        %cond3A_113 = arith.constant 0 : i32
        %cond3A_114 = arith.cmpi ne, %convert_element_type3A_112, %cond3A_113 : i32
        scf.if %cond3A_114 {
        } else {
        }
        %mul3A_115 = arith.constant 16 : i32
        %mul3A_116 = arith.muli %scan3A_76, %mul3A_115 : i32
        %add3A_117 = arith.constant 3 : i32
        %add3A_118 = arith.addi %mul3A_116, %add3A_117 : i32
        %slice3A_119 = vector.extract_strided_slice %get3A_84 {offsets = [3], sizes = [1], strides = [1]} : vector<16xf32> to vector<1xf32>
        %squeeze3A_120 = vector.extract %slice3A_119[0] : f32 from vector<1xf32>
        %gt3A_121 = arith.constant 0.000000e+00 : f32
        %gt3A_122 = arith.cmpf ogt, %squeeze3A_120, %gt3A_121 : f32
        %convert_element_type3A_123 = arith.extui %gt3A_122 : i1 to i32
        %cond3A_124 = arith.constant 0 : i32
        %cond3A_125 = arith.cmpi ne, %convert_element_type3A_123, %cond3A_124 : i32
        scf.if %cond3A_125 {
        } else {
        }
        %mul3A_126 = arith.constant 16 : i32
        %mul3A_127 = arith.muli %scan3A_76, %mul3A_126 : i32
        %add3A_128 = arith.constant 4 : i32
        %add3A_129 = arith.addi %mul3A_127, %add3A_128 : i32
        %slice3A_130 = vector.extract_strided_slice %get3A_84 {offsets = [4], sizes = [1], strides = [1]} : vector<16xf32> to vector<1xf32>
        %squeeze3A_131 = vector.extract %slice3A_130[0] : f32 from vector<1xf32>
        %gt3A_132 = arith.constant 0.000000e+00 : f32
        %gt3A_133 = arith.cmpf ogt, %squeeze3A_131, %gt3A_132 : f32
        %convert_element_type3A_134 = arith.extui %gt3A_133 : i1 to i32
        %cond3A_135 = arith.constant 0 : i32
        %cond3A_136 = arith.cmpi ne, %convert_element_type3A_134, %cond3A_135 : i32
        scf.if %cond3A_136 {
        } else {
        }
        %mul3A_137 = arith.constant 16 : i32
        %mul3A_138 = arith.muli %scan3A_76, %mul3A_137 : i32
        %add3A_139 = arith.constant 5 : i32
        %add3A_140 = arith.addi %mul3A_138, %add3A_139 : i32
        %slice3A_141 = vector.extract_strided_slice %get3A_84 {offsets = [5], sizes = [1], strides = [1]} : vector<16xf32> to vector<1xf32>
        %squeeze3A_142 = vector.extract %slice3A_141[0] : f32 from vector<1xf32>
        %gt3A_143 = arith.constant 0.000000e+00 : f32
        %gt3A_144 = arith.cmpf ogt, %squeeze3A_142, %gt3A_143 : f32
        %convert_element_type3A_145 = arith.extui %gt3A_144 : i1 to i32
        %cond3A_146 = arith.constant 0 : i32
        %cond3A_147 = arith.cmpi ne, %convert_element_type3A_145, %cond3A_146 : i32
        scf.if %cond3A_147 {
        } else {
        }
        %mul3A_148 = arith.constant 16 : i32
        %mul3A_149 = arith.muli %scan3A_76, %mul3A_148 : i32
        %add3A_150 = arith.constant 6 : i32
        %add3A_151 = arith.addi %mul3A_149, %add3A_150 : i32
        %slice3A_152 = vector.extract_strided_slice %get3A_84 {offsets = [6], sizes = [1], strides = [1]} : vector<16xf32> to vector<1xf32>
        %squeeze3A_153 = vector.extract %slice3A_152[0] : f32 from vector<1xf32>
        %gt3A_154 = arith.constant 0.000000e+00 : f32
        %gt3A_155 = arith.cmpf ogt, %squeeze3A_153, %gt3A_154 : f32
        %convert_element_type3A_156 = arith.extui %gt3A_155 : i1 to i32
        %cond3A_157 = arith.constant 0 : i32
        %cond3A_158 = arith.cmpi ne, %convert_element_type3A_156, %cond3A_157 : i32
        scf.if %cond3A_158 {
        } else {
        }
        %mul3A_159 = arith.constant 16 : i32
        %mul3A_160 = arith.muli %scan3A_76, %mul3A_159 : i32
        %add3A_161 = arith.constant 7 : i32
        %add3A_162 = arith.addi %mul3A_160, %add3A_161 : i32
        %slice3A_163 = vector.extract_strided_slice %get3A_84 {offsets = [7], sizes = [1], strides = [1]} : vector<16xf32> to vector<1xf32>
        %squeeze3A_164 = vector.extract %slice3A_163[0] : f32 from vector<1xf32>
        %gt3A_165 = arith.constant 0.000000e+00 : f32
        %gt3A_166 = arith.cmpf ogt, %squeeze3A_164, %gt3A_165 : f32
        %convert_element_type3A_167 = arith.extui %gt3A_166 : i1 to i32
        %cond3A_168 = arith.constant 0 : i32
        %cond3A_169 = arith.cmpi ne, %convert_element_type3A_167, %cond3A_168 : i32
        scf.if %cond3A_169 {
        } else {
        }
        %mul3A_170 = arith.constant 16 : i32
        %mul3A_171 = arith.muli %scan3A_76, %mul3A_170 : i32
        %add3A_172 = arith.constant 8 : i32
        %add3A_173 = arith.addi %mul3A_171, %add3A_172 : i32
        %slice3A_174 = vector.extract_strided_slice %get3A_84 {offsets = [8], sizes = [1], strides = [1]} : vector<16xf32> to vector<1xf32>
        %squeeze3A_175 = vector.extract %slice3A_174[0] : f32 from vector<1xf32>
        %gt3A_176 = arith.constant 0.000000e+00 : f32
        %gt3A_177 = arith.cmpf ogt, %squeeze3A_175, %gt3A_176 : f32
        %convert_element_type3A_178 = arith.extui %gt3A_177 : i1 to i32
        %cond3A_179 = arith.constant 0 : i32
        %cond3A_180 = arith.cmpi ne, %convert_element_type3A_178, %cond3A_179 : i32
        scf.if %cond3A_180 {
        } else {
        }
        %mul3A_181 = arith.constant 16 : i32
        %mul3A_182 = arith.muli %scan3A_76, %mul3A_181 : i32
        %add3A_183 = arith.constant 9 : i32
        %add3A_184 = arith.addi %mul3A_182, %add3A_183 : i32
        %slice3A_185 = vector.extract_strided_slice %get3A_84 {offsets = [9], sizes = [1], strides = [1]} : vector<16xf32> to vector<1xf32>
        %squeeze3A_186 = vector.extract %slice3A_185[0] : f32 from vector<1xf32>
        %gt3A_187 = arith.constant 0.000000e+00 : f32
        %gt3A_188 = arith.cmpf ogt, %squeeze3A_186, %gt3A_187 : f32
        %convert_element_type3A_189 = arith.extui %gt3A_188 : i1 to i32
        %cond3A_190 = arith.constant 0 : i32
        %cond3A_191 = arith.cmpi ne, %convert_element_type3A_189, %cond3A_190 : i32
        scf.if %cond3A_191 {
        } else {
        }
        %mul3A_192 = arith.constant 16 : i32
        %mul3A_193 = arith.muli %scan3A_76, %mul3A_192 : i32
        %add3A_194 = arith.constant 10 : i32
        %add3A_195 = arith.addi %mul3A_193, %add3A_194 : i32
        %slice3A_196 = vector.extract_strided_slice %get3A_84 {offsets = [10], sizes = [1], strides = [1]} : vector<16xf32> to vector<1xf32>
        %squeeze3A_197 = vector.extract %slice3A_196[0] : f32 from vector<1xf32>
        %gt3A_198 = arith.constant 0.000000e+00 : f32
        %gt3A_199 = arith.cmpf ogt, %squeeze3A_197, %gt3A_198 : f32
        %convert_element_type3A_200 = arith.extui %gt3A_199 : i1 to i32
        %cond3A_201 = arith.constant 0 : i32
        %cond3A_202 = arith.cmpi ne, %convert_element_type3A_200, %cond3A_201 : i32
        scf.if %cond3A_202 {
        } else {
        }
        %mul3A_203 = arith.constant 16 : i32
        %mul3A_204 = arith.muli %scan3A_76, %mul3A_203 : i32
        %add3A_205 = arith.constant 11 : i32
        %add3A_206 = arith.addi %mul3A_204, %add3A_205 : i32
        %slice3A_207 = vector.extract_strided_slice %get3A_84 {offsets = [11], sizes = [1], strides = [1]} : vector<16xf32> to vector<1xf32>
        %squeeze3A_208 = vector.extract %slice3A_207[0] : f32 from vector<1xf32>
        %gt3A_209 = arith.constant 0.000000e+00 : f32
        %gt3A_210 = arith.cmpf ogt, %squeeze3A_208, %gt3A_209 : f32
        %convert_element_type3A_211 = arith.extui %gt3A_210 : i1 to i32
        %cond3A_212 = arith.constant 0 : i32
        %cond3A_213 = arith.cmpi ne, %convert_element_type3A_211, %cond3A_212 : i32
        scf.if %cond3A_213 {
        } else {
        }
        %mul3A_214 = arith.constant 16 : i32
        %mul3A_215 = arith.muli %scan3A_76, %mul3A_214 : i32
        %add3A_216 = arith.constant 12 : i32
        %add3A_217 = arith.addi %mul3A_215, %add3A_216 : i32
        %slice3A_218 = vector.extract_strided_slice %get3A_84 {offsets = [12], sizes = [1], strides = [1]} : vector<16xf32> to vector<1xf32>
        %squeeze3A_219 = vector.extract %slice3A_218[0] : f32 from vector<1xf32>
        %gt3A_220 = arith.constant 0.000000e+00 : f32
        %gt3A_221 = arith.cmpf ogt, %squeeze3A_219, %gt3A_220 : f32
        %convert_element_type3A_222 = arith.extui %gt3A_221 : i1 to i32
        %cond3A_223 = arith.constant 0 : i32
        %cond3A_224 = arith.cmpi ne, %convert_element_type3A_222, %cond3A_223 : i32
        scf.if %cond3A_224 {
        } else {
        }
        %mul3A_225 = arith.constant 16 : i32
        %mul3A_226 = arith.muli %scan3A_76, %mul3A_225 : i32
        %add3A_227 = arith.constant 13 : i32
        %add3A_228 = arith.addi %mul3A_226, %add3A_227 : i32
        %slice3A_229 = vector.extract_strided_slice %get3A_84 {offsets = [13], sizes = [1], strides = [1]} : vector<16xf32> to vector<1xf32>
        %squeeze3A_230 = vector.extract %slice3A_229[0] : f32 from vector<1xf32>
        %gt3A_231 = arith.constant 0.000000e+00 : f32
        %gt3A_232 = arith.cmpf ogt, %squeeze3A_230, %gt3A_231 : f32
        %convert_element_type3A_233 = arith.extui %gt3A_232 : i1 to i32
        %cond3A_234 = arith.constant 0 : i32
        %cond3A_235 = arith.cmpi ne, %convert_element_type3A_233, %cond3A_234 : i32
        scf.if %cond3A_235 {
        } else {
        }
        %mul3A_236 = arith.constant 16 : i32
        %mul3A_237 = arith.muli %scan3A_76, %mul3A_236 : i32
        %add3A_238 = arith.constant 14 : i32
        %add3A_239 = arith.addi %mul3A_237, %add3A_238 : i32
        %slice3A_240 = vector.extract_strided_slice %get3A_84 {offsets = [14], sizes = [1], strides = [1]} : vector<16xf32> to vector<1xf32>
        %squeeze3A_241 = vector.extract %slice3A_240[0] : f32 from vector<1xf32>
        %gt3A_242 = arith.constant 0.000000e+00 : f32
        %gt3A_243 = arith.cmpf ogt, %squeeze3A_241, %gt3A_242 : f32
        %convert_element_type3A_244 = arith.extui %gt3A_243 : i1 to i32
        %cond3A_245 = arith.constant 0 : i32
        %cond3A_246 = arith.cmpi ne, %convert_element_type3A_244, %cond3A_245 : i32
        scf.if %cond3A_246 {
        } else {
        }
        %mul3A_247 = arith.constant 16 : i32
        %mul3A_248 = arith.muli %scan3A_76, %mul3A_247 : i32
        %add3A_249 = arith.constant 15 : i32
        %add3A_250 = arith.addi %mul3A_248, %add3A_249 : i32
        %slice3A_251 = vector.extract_strided_slice %get3A_84 {offsets = [15], sizes = [1], strides = [1]} : vector<16xf32> to vector<1xf32>
        %squeeze3A_252 = vector.extract %slice3A_251[0] : f32 from vector<1xf32>
        %gt3A_253 = arith.constant 0.000000e+00 : f32
        %gt3A_254 = arith.cmpf ogt, %squeeze3A_252, %gt3A_253 : f32
        %convert_element_type3A_255 = arith.extui %gt3A_254 : i1 to i32
        %cond3A_256 = arith.constant 0 : i32
        %cond3A_257 = arith.cmpi ne, %convert_element_type3A_255, %cond3A_256 : i32
        scf.if %cond3A_257 {
        } else {
        }
        %scan3A_258 = arith.constant 0 : i32
        scf.yield %scan3A_258 : i32
      }
      %scan3A_54 = arith.constant 2 : i32
      %lt3A = arith.constant 15 : i32
      %lt3A_55 = arith.cmpi slt, %scan3A_29, %lt3A : i32
      %convert_element_type3A = arith.extui %lt3A_55 : i1 to i32
      %cond3A = arith.constant 0 : i32
      %cond3A_56 = arith.cmpi ne, %convert_element_type3A, %cond3A : i32
      scf.if %cond3A_56 {
        %add3A_76 = arith.constant 2 : i32
        %add3A_77 = arith.addi %mul3A_32, %add3A_76 : i32
        %mul3A_78 = arith.constant 32 : i32
        %mul3A_79 = arith.muli %add3A_77, %mul3A_78 : i32
        %add3A_80 = arith.addi %mul3A_2, %mul3A_79 : i32
        %dma_start3A_81 = arith.constant 0 : i32
        %dma_start3A_82 = tpu.memref_slice %arg2[%add3A_80, %dma_start3A_81] : memref<32768x1024xf32, #tpu.memory_space<hbm>> -> memref<32x1024xf32, #tpu.memory_space<hbm>>
        %dma_start3A_83 = arith.constant 0 : i32
        %dma_start3A_84 = tpu.memref_slice %arg2[%add3A_80, %dma_start3A_83] : memref<32768x1024xf32, #tpu.memory_space<hbm>> -> memref<32x1024xf32, #tpu.memory_space<hbm>>
        tpu.enqueue_dma source(%dma_start3A_84 : memref<32x1024xf32, #tpu.memory_space<hbm>>) target(%arg5 : memref<32x1024xf32, #tpu.memory_space<vmem>>) target_semaphore(%arg9 : memref<!tpu.dma_semaphore, #tpu.memory_space<semaphore_mem>>)
      } else {
      }
      %add3A_57 = arith.constant 1 : i32
      %add3A_58 = arith.addi %mul3A_32, %add3A_57 : i32
      %mul3A_59 = arith.constant 32 : i32
      %mul3A_60 = arith.muli %add3A_58, %mul3A_59 : i32
      %add3A_61 = arith.addi %mul3A_2, %mul3A_60 : i32
      %dma_wait3A_62 = arith.constant 0 : i32
      %dma_wait3A_63 = tpu.memref_slice %arg2[%add3A_61, %dma_wait3A_62] : memref<32768x1024xf32, #tpu.memory_space<hbm>> -> memref<32x1024xf32, #tpu.memory_space<hbm>>
      %dma_wait3A_64 = arith.constant 0 : i32
      %dma_wait3A_65 = tpu.memref_slice %arg2[%add3A_61, %dma_wait3A_64] : memref<32768x1024xf32, #tpu.memory_space<hbm>> -> memref<32x1024xf32, #tpu.memory_space<hbm>>
      tpu.wait_dma2 semaphore(%arg10 : memref<!tpu.dma_semaphore, #tpu.memory_space<semaphore_mem>>) src(%dma_wait3A_65 : memref<32x1024xf32, #tpu.memory_space<hbm>>) dst(%arg6 : memref<32x1024xf32, #tpu.memory_space<vmem>>)
      %add3A_66 = arith.constant 1 : i32
      %add3A_67 = arith.addi %mul3A_32, %add3A_66 : i32
      %scan3A_68 = arith.constant 0 : i32
      %scan3A_69 = arith.constant 0 : i32
      %scan3A_70 = arith.constant 2 : i32
      %scan3A_71 = arith.addi %scan3A_69, %scan3A_70 : i32
      %scan3A_72 = arith.constant 1 : i32
      %scan3A_73 = scf.for %scan3A_76 = %scan3A_69 to %scan3A_71 step %scan3A_72 iter_args(%scan3A_77 = %scan3A_68) -> (i32)  : i32 {
        %mul3A_78 = arith.constant 32 : i32
        %mul3A_79 = arith.muli %add3A_67, %mul3A_78 : i32
        %mul3A_80 = arith.constant 16 : i32
        %mul3A_81 = arith.muli %scan3A_76, %mul3A_80 : i32
        %add3A_82 = arith.addi %mul3A_79, %mul3A_81 : i32
        %get3A = arith.index_cast %add3A_82 : i32 to index
        %get3A_83 = tpu.vector_load %arg7[%get3A] {strides = array<i32>} : memref<1024xf32, #tpu.memory_space<vmem>>, vector<16xf32>,
        %get3A_84 = vector.shape_cast %get3A_83 : vector<16xf32> to vector<16xf32>
        %mul3A_85 = arith.constant 16 : i32
        %mul3A_86 = arith.muli %scan3A_76, %mul3A_85 : i32
        %add3A_87 = arith.constant 0 : i32
        %add3A_88 = arith.addi %mul3A_86, %add3A_87 : i32
        %slice3A = vector.extract_strided_slice %get3A_84 {offsets = [0], sizes = [1], strides = [1]} : vector<16xf32> to vector<1xf32>
        %squeeze3A = vector.extract %slice3A[0] : f32 from vector<1xf32>
        %gt3A = arith.constant 0.000000e+00 : f32
        %gt3A_89 = arith.cmpf ogt, %squeeze3A, %gt3A : f32
        %convert_element_type3A_90 = arith.extui %gt3A_89 : i1 to i32
        %cond3A_91 = arith.constant 0 : i32
        %cond3A_92 = arith.cmpi ne, %convert_element_type3A_90, %cond3A_91 : i32
        scf.if %cond3A_92 {
        } else {
        }
        %mul3A_93 = arith.constant 16 : i32
        %mul3A_94 = arith.muli %scan3A_76, %mul3A_93 : i32
        %add3A_95 = arith.constant 1 : i32
        %add3A_96 = arith.addi %mul3A_94, %add3A_95 : i32
        %slice3A_97 = vector.extract_strided_slice %get3A_84 {offsets = [1], sizes = [1], strides = [1]} : vector<16xf32> to vector<1xf32>
        %squeeze3A_98 = vector.extract %slice3A_97[0] : f32 from vector<1xf32>
        %gt3A_99 = arith.constant 0.000000e+00 : f32
        %gt3A_100 = arith.cmpf ogt, %squeeze3A_98, %gt3A_99 : f32
        %convert_element_type3A_101 = arith.extui %gt3A_100 : i1 to i32
        %cond3A_102 = arith.constant 0 : i32
        %cond3A_103 = arith.cmpi ne, %convert_element_type3A_101, %cond3A_102 : i32
        scf.if %cond3A_103 {
        } else {
        }
        %mul3A_104 = arith.constant 16 : i32
        %mul3A_105 = arith.muli %scan3A_76, %mul3A_104 : i32
        %add3A_106 = arith.constant 2 : i32
        %add3A_107 = arith.addi %mul3A_105, %add3A_106 : i32
        %slice3A_108 = vector.extract_strided_slice %get3A_84 {offsets = [2], sizes = [1], strides = [1]} : vector<16xf32> to vector<1xf32>
        %squeeze3A_109 = vector.extract %slice3A_108[0] : f32 from vector<1xf32>
        %gt3A_110 = arith.constant 0.000000e+00 : f32
        %gt3A_111 = arith.cmpf ogt, %squeeze3A_109, %gt3A_110 : f32
        %convert_element_type3A_112 = arith.extui %gt3A_111 : i1 to i32
        %cond3A_113 = arith.constant 0 : i32
        %cond3A_114 = arith.cmpi ne, %convert_element_type3A_112, %cond3A_113 : i32
        scf.if %cond3A_114 {
        } else {
        }
        %mul3A_115 = arith.constant 16 : i32
        %mul3A_116 = arith.muli %scan3A_76, %mul3A_115 : i32
        %add3A_117 = arith.constant 3 : i32
        %add3A_118 = arith.addi %mul3A_116, %add3A_117 : i32
        %slice3A_119 = vector.extract_strided_slice %get3A_84 {offsets = [3], sizes = [1], strides = [1]} : vector<16xf32> to vector<1xf32>
        %squeeze3A_120 = vector.extract %slice3A_119[0] : f32 from vector<1xf32>
        %gt3A_121 = arith.constant 0.000000e+00 : f32
        %gt3A_122 = arith.cmpf ogt, %squeeze3A_120, %gt3A_121 : f32
        %convert_element_type3A_123 = arith.extui %gt3A_122 : i1 to i32
        %cond3A_124 = arith.constant 0 : i32
        %cond3A_125 = arith.cmpi ne, %convert_element_type3A_123, %cond3A_124 : i32
        scf.if %cond3A_125 {
        } else {
        }
        %mul3A_126 = arith.constant 16 : i32
        %mul3A_127 = arith.muli %scan3A_76, %mul3A_126 : i32
        %add3A_128 = arith.constant 4 : i32
        %add3A_129 = arith.addi %mul3A_127, %add3A_128 : i32
        %slice3A_130 = vector.extract_strided_slice %get3A_84 {offsets = [4], sizes = [1], strides = [1]} : vector<16xf32> to vector<1xf32>
        %squeeze3A_131 = vector.extract %slice3A_130[0] : f32 from vector<1xf32>
        %gt3A_132 = arith.constant 0.000000e+00 : f32
        %gt3A_133 = arith.cmpf ogt, %squeeze3A_131, %gt3A_132 : f32
        %convert_element_type3A_134 = arith.extui %gt3A_133 : i1 to i32
        %cond3A_135 = arith.constant 0 : i32
        %cond3A_136 = arith.cmpi ne, %convert_element_type3A_134, %cond3A_135 : i32
        scf.if %cond3A_136 {
        } else {
        }
        %mul3A_137 = arith.constant 16 : i32
        %mul3A_138 = arith.muli %scan3A_76, %mul3A_137 : i32
        %add3A_139 = arith.constant 5 : i32
        %add3A_140 = arith.addi %mul3A_138, %add3A_139 : i32
        %slice3A_141 = vector.extract_strided_slice %get3A_84 {offsets = [5], sizes = [1], strides = [1]} : vector<16xf32> to vector<1xf32>
        %squeeze3A_142 = vector.extract %slice3A_141[0] : f32 from vector<1xf32>
        %gt3A_143 = arith.constant 0.000000e+00 : f32
        %gt3A_144 = arith.cmpf ogt, %squeeze3A_142, %gt3A_143 : f32
        %convert_element_type3A_145 = arith.extui %gt3A_144 : i1 to i32
        %cond3A_146 = arith.constant 0 : i32
        %cond3A_147 = arith.cmpi ne, %convert_element_type3A_145, %cond3A_146 : i32
        scf.if %cond3A_147 {
        } else {
        }
        %mul3A_148 = arith.constant 16 : i32
        %mul3A_149 = arith.muli %scan3A_76, %mul3A_148 : i32
        %add3A_150 = arith.constant 6 : i32
        %add3A_151 = arith.addi %mul3A_149, %add3A_150 : i32
        %slice3A_152 = vector.extract_strided_slice %get3A_84 {offsets = [6], sizes = [1], strides = [1]} : vector<16xf32> to vector<1xf32>
        %squeeze3A_153 = vector.extract %slice3A_152[0] : f32 from vector<1xf32>
        %gt3A_154 = arith.constant 0.000000e+00 : f32
        %gt3A_155 = arith.cmpf ogt, %squeeze3A_153, %gt3A_154 : f32
        %convert_element_type3A_156 = arith.extui %gt3A_155 : i1 to i32
        %cond3A_157 = arith.constant 0 : i32
        %cond3A_158 = arith.cmpi ne, %convert_element_type3A_156, %cond3A_157 : i32
        scf.if %cond3A_158 {
        } else {
        }
        %mul3A_159 = arith.constant 16 : i32
        %mul3A_160 = arith.muli %scan3A_76, %mul3A_159 : i32
        %add3A_161 = arith.constant 7 : i32
        %add3A_162 = arith.addi %mul3A_160, %add3A_161 : i32
        %slice3A_163 = vector.extract_strided_slice %get3A_84 {offsets = [7], sizes = [1], strides = [1]} : vector<16xf32> to vector<1xf32>
        %squeeze3A_164 = vector.extract %slice3A_163[0] : f32 from vector<1xf32>
        %gt3A_165 = arith.constant 0.000000e+00 : f32
        %gt3A_166 = arith.cmpf ogt, %squeeze3A_164, %gt3A_165 : f32
        %convert_element_type3A_167 = arith.extui %gt3A_166 : i1 to i32
        %cond3A_168 = arith.constant 0 : i32
        %cond3A_169 = arith.cmpi ne, %convert_element_type3A_167, %cond3A_168 : i32
        scf.if %cond3A_169 {
        } else {
        }
        %mul3A_170 = arith.constant 16 : i32
        %mul3A_171 = arith.muli %scan3A_76, %mul3A_170 : i32
        %add3A_172 = arith.constant 8 : i32
        %add3A_173 = arith.addi %mul3A_171, %add3A_172 : i32
        %slice3A_174 = vector.extract_strided_slice %get3A_84 {offsets = [8], sizes = [1], strides = [1]} : vector<16xf32> to vector<1xf32>
        %squeeze3A_175 = vector.extract %slice3A_174[0] : f32 from vector<1xf32>
        %gt3A_176 = arith.constant 0.000000e+00 : f32
        %gt3A_177 = arith.cmpf ogt, %squeeze3A_175, %gt3A_176 : f32
        %convert_element_type3A_178 = arith.extui %gt3A_177 : i1 to i32
        %cond3A_179 = arith.constant 0 : i32
        %cond3A_180 = arith.cmpi ne, %convert_element_type3A_178, %cond3A_179 : i32
        scf.if %cond3A_180 {
        } else {
        }
        %mul3A_181 = arith.constant 16 : i32
        %mul3A_182 = arith.muli %scan3A_76, %mul3A_181 : i32
        %add3A_183 = arith.constant 9 : i32
        %add3A_184 = arith.addi %mul3A_182, %add3A_183 : i32
        %slice3A_185 = vector.extract_strided_slice %get3A_84 {offsets = [9], sizes = [1], strides = [1]} : vector<16xf32> to vector<1xf32>
        %squeeze3A_186 = vector.extract %slice3A_185[0] : f32 from vector<1xf32>
        %gt3A_187 = arith.constant 0.000000e+00 : f32
        %gt3A_188 = arith.cmpf ogt, %squeeze3A_186, %gt3A_187 : f32
        %convert_element_type3A_189 = arith.extui %gt3A_188 : i1 to i32
        %cond3A_190 = arith.constant 0 : i32
        %cond3A_191 = arith.cmpi ne, %convert_element_type3A_189, %cond3A_190 : i32
        scf.if %cond3A_191 {
        } else {
        }
        %mul3A_192 = arith.constant 16 : i32
        %mul3A_193 = arith.muli %scan3A_76, %mul3A_192 : i32
        %add3A_194 = arith.constant 10 : i32
        %add3A_195 = arith.addi %mul3A_193, %add3A_194 : i32
        %slice3A_196 = vector.extract_strided_slice %get3A_84 {offsets = [10], sizes = [1], strides = [1]} : vector<16xf32> to vector<1xf32>
        %squeeze3A_197 = vector.extract %slice3A_196[0] : f32 from vector<1xf32>
        %gt3A_198 = arith.constant 0.000000e+00 : f32
        %gt3A_199 = arith.cmpf ogt, %squeeze3A_197, %gt3A_198 : f32
        %convert_element_type3A_200 = arith.extui %gt3A_199 : i1 to i32
        %cond3A_201 = arith.constant 0 : i32
        %cond3A_202 = arith.cmpi ne, %convert_element_type3A_200, %cond3A_201 : i32
        scf.if %cond3A_202 {
        } else {
        }
        %mul3A_203 = arith.constant 16 : i32
        %mul3A_204 = arith.muli %scan3A_76, %mul3A_203 : i32
        %add3A_205 = arith.constant 11 : i32
        %add3A_206 = arith.addi %mul3A_204, %add3A_205 : i32
        %slice3A_207 = vector.extract_strided_slice %get3A_84 {offsets = [11], sizes = [1], strides = [1]} : vector<16xf32> to vector<1xf32>
        %squeeze3A_208 = vector.extract %slice3A_207[0] : f32 from vector<1xf32>
        %gt3A_209 = arith.constant 0.000000e+00 : f32
        %gt3A_210 = arith.cmpf ogt, %squeeze3A_208, %gt3A_209 : f32
        %convert_element_type3A_211 = arith.extui %gt3A_210 : i1 to i32
        %cond3A_212 = arith.constant 0 : i32
        %cond3A_213 = arith.cmpi ne, %convert_element_type3A_211, %cond3A_212 : i32
        scf.if %cond3A_213 {
        } else {
        }
        %mul3A_214 = arith.constant 16 : i32
        %mul3A_215 = arith.muli %scan3A_76, %mul3A_214 : i32
        %add3A_216 = arith.constant 12 : i32
        %add3A_217 = arith.addi %mul3A_215, %add3A_216 : i32
        %slice3A_218 = vector.extract_strided_slice %get3A_84 {offsets = [12], sizes = [1], strides = [1]} : vector<16xf32> to vector<1xf32>
        %squeeze3A_219 = vector.extract %slice3A_218[0] : f32 from vector<1xf32>
        %gt3A_220 = arith.constant 0.000000e+00 : f32
        %gt3A_221 = arith.cmpf ogt, %squeeze3A_219, %gt3A_220 : f32
        %convert_element_type3A_222 = arith.extui %gt3A_221 : i1 to i32
        %cond3A_223 = arith.constant 0 : i32
        %cond3A_224 = arith.cmpi ne, %convert_element_type3A_222, %cond3A_223 : i32
        scf.if %cond3A_224 {
        } else {
        }
        %mul3A_225 = arith.constant 16 : i32
        %mul3A_226 = arith.muli %scan3A_76, %mul3A_225 : i32
        %add3A_227 = arith.constant 13 : i32
        %add3A_228 = arith.addi %mul3A_226, %add3A_227 : i32
        %slice3A_229 = vector.extract_strided_slice %get3A_84 {offsets = [13], sizes = [1], strides = [1]} : vector<16xf32> to vector<1xf32>
        %squeeze3A_230 = vector.extract %slice3A_229[0] : f32 from vector<1xf32>
        %gt3A_231 = arith.constant 0.000000e+00 : f32
        %gt3A_232 = arith.cmpf ogt, %squeeze3A_230, %gt3A_231 : f32
        %convert_element_type3A_233 = arith.extui %gt3A_232 : i1 to i32
        %cond3A_234 = arith.constant 0 : i32
        %cond3A_235 = arith.cmpi ne, %convert_element_type3A_233, %cond3A_234 : i32
        scf.if %cond3A_235 {
        } else {
        }
        %mul3A_236 = arith.constant 16 : i32
        %mul3A_237 = arith.muli %scan3A_76, %mul3A_236 : i32
        %add3A_238 = arith.constant 14 : i32
        %add3A_239 = arith.addi %mul3A_237, %add3A_238 : i32
        %slice3A_240 = vector.extract_strided_slice %get3A_84 {offsets = [14], sizes = [1], strides = [1]} : vector<16xf32> to vector<1xf32>
        %squeeze3A_241 = vector.extract %slice3A_240[0] : f32 from vector<1xf32>
        %gt3A_242 = arith.constant 0.000000e+00 : f32
        %gt3A_243 = arith.cmpf ogt, %squeeze3A_241, %gt3A_242 : f32
        %convert_element_type3A_244 = arith.extui %gt3A_243 : i1 to i32
        %cond3A_245 = arith.constant 0 : i32
        %cond3A_246 = arith.cmpi ne, %convert_element_type3A_244, %cond3A_245 : i32
        scf.if %cond3A_246 {
        } else {
        }
        %mul3A_247 = arith.constant 16 : i32
        %mul3A_248 = arith.muli %scan3A_76, %mul3A_247 : i32
        %add3A_249 = arith.constant 15 : i32
        %add3A_250 = arith.addi %mul3A_248, %add3A_249 : i32
        %slice3A_251 = vector.extract_strided_slice %get3A_84 {offsets = [15], sizes = [1], strides = [1]} : vector<16xf32> to vector<1xf32>
        %squeeze3A_252 = vector.extract %slice3A_251[0] : f32 from vector<1xf32>
        %gt3A_253 = arith.constant 0.000000e+00 : f32
        %gt3A_254 = arith.cmpf ogt, %squeeze3A_252, %gt3A_253 : f32
        %convert_element_type3A_255 = arith.extui %gt3A_254 : i1 to i32
        %cond3A_256 = arith.constant 0 : i32
        %cond3A_257 = arith.cmpi ne, %convert_element_type3A_255, %cond3A_256 : i32
        scf.if %cond3A_257 {
        } else {
        }
        %scan3A_258 = arith.constant 0 : i32
        scf.yield %scan3A_258 : i32
      }
      %scan3A_74 = arith.constant 2 : i32
      %scan3A_75 = arith.constant 0 : i32
      scf.yield %scan3A_75 : i32
    }
    %scan3A_28 = arith.constant 16 : i32
    "tpu.region"() ({
      %run_scoped3A = tpu.sem_alloc : memref<!tpu.dma_semaphore, #tpu.memory_space<semaphore_mem>>
      %dma_start3A_29 = arith.constant 0 : i32
      %dma_start3A_30 = arith.constant 0 : i32
      %dma_start3A_31 = tpu.memref_slice %arg4[%add3A, %dma_start3A_29, %dma_start3A_30] : memref<32x3x1024xf32, #tpu.memory_space<hbm>> -> memref<1x3x1024xf32, #tpu.memory_space<hbm>>
      %dma_start3A_32 = tpu.memref_squeeze %dma_start3A_31 : memref<1x3x1024xf32, #tpu.memory_space<hbm>> -> memref<3x1024xf32, #tpu.memory_space<hbm>>
      %dma_start3A_33 = arith.constant 0 : i32
      %dma_start3A_34 = arith.constant 0 : i32
      %dma_start3A_35 = tpu.memref_slice %arg4[%add3A, %dma_start3A_33, %dma_start3A_34] : memref<32x3x1024xf32, #tpu.memory_space<hbm>> -> memref<1x3x1024xf32, #tpu.memory_space<hbm>>
      %dma_start3A_36 = tpu.memref_squeeze %dma_start3A_35 : memref<1x3x1024xf32, #tpu.memory_space<hbm>> -> memref<3x1024xf32, #tpu.memory_space<hbm>>
      tpu.enqueue_dma source(%arg8 : memref<3x1024xf32, #tpu.memory_space<vmem>>) target(%dma_start3A_36 : memref<3x1024xf32, #tpu.memory_space<hbm>>) target_semaphore(%run_scoped3A : memref<!tpu.dma_semaphore, #tpu.memory_space<semaphore_mem>>)
      %dma_wait3A = arith.constant 0 : i32
      %dma_wait3A_37 = arith.constant 0 : i32
      %dma_wait3A_38 = tpu.memref_slice %arg4[%add3A, %dma_wait3A, %dma_wait3A_37] : memref<32x3x1024xf32, #tpu.memory_space<hbm>> -> memref<1x3x1024xf32, #tpu.memory_space<hbm>>
      %dma_wait3A_39 = tpu.memref_squeeze %dma_wait3A_38 : memref<1x3x1024xf32, #tpu.memory_space<hbm>> -> memref<3x1024xf32, #tpu.memory_space<hbm>>
      %dma_wait3A_40 = arith.constant 0 : i32
      %dma_wait3A_41 = arith.constant 0 : i32
      %dma_wait3A_42 = tpu.memref_slice %arg4[%add3A, %dma_wait3A_40, %dma_wait3A_41] : memref<32x3x1024xf32, #tpu.memory_space<hbm>> -> memref<1x3x1024xf32, #tpu.memory_space<hbm>>
      %dma_wait3A_43 = tpu.memref_squeeze %dma_wait3A_42 : memref<1x3x1024xf32, #tpu.memory_space<hbm>> -> memref<3x1024xf32, #tpu.memory_space<hbm>>
      tpu.wait_dma2 semaphore(%run_scoped3A : memref<!tpu.dma_semaphore, #tpu.memory_space<semaphore_mem>>) src(%arg8 : memref<3x1024xf32, #tpu.memory_space<vmem>>) dst(%dma_wait3A_43 : memref<3x1024xf32, #tpu.memory_space<hbm>>)
      tpu.yield
    }) : () -> ()
    return
  }
}

#map = affine_map<(d0, d1) -> (0, 0)>
#map1 = affine_map<(d0, d1) -> (0)>
module attributes {stable_mosaic.version = 14 : i64} {
  func.func @norm(%arg0: i32, %arg1: i32, %arg2: memref<32768x1024xf32, #tpu.memory_space<hbm>>, %arg3: memref<32768xf32, #tpu.memory_space<hbm>>, %arg4: memref<1x1024xf32, #tpu.memory_space<hbm>>, %arg5: memref<1x1024xf32, #tpu.memory_space<hbm>>, %arg6: memref<32768x1024xf32, #tpu.memory_space<hbm>>, %arg7: memref<32x1024xf32, #tpu.memory_space<vmem>>, %arg8: memref<32x1024xf32, #tpu.memory_space<vmem>>, %arg9: memref<1024xf32, #tpu.memory_space<vmem>>, %arg10: memref<1x1024xf32, #tpu.memory_space<vmem>>, %arg11: memref<1x1024xf32, #tpu.memory_space<vmem>>, %arg12: memref<!tpu.dma_semaphore, #tpu.memory_space<semaphore_mem>>, %arg13: memref<!tpu.dma_semaphore, #tpu.memory_space<semaphore_mem>>, %arg14: memref<!tpu.dma_semaphore, #tpu.memory_space<semaphore_mem>>, %arg15: memref<!tpu.dma_semaphore, #tpu.memory_space<semaphore_mem>>) attributes {dimension_semantics = [#tpu.dimension_semantics<core_parallel>, #tpu.dimension_semantics<subcore_parallel>], iteration_bounds = array<i64: 2, 16>, scalar_prefetch = 0 : i64, scratch_operands = 9 : i64, tpu.core_type = #tpu.core_type<sc_vector_subcore>, window_params = [{transform_indices = #map}, {transform_indices = #map1}, {transform_indices = #map}, {transform_indices = #map}, {transform_indices = #map}]} {
    %mul3A = arith.constant 2 : i32
    %mul3A_0 = arith.muli %arg1, %mul3A : i32
    %add3A = arith.addi %mul3A_0, %arg0 : i32
    %mul3A_1 = arith.constant 1024 : i32
    %mul3A_2 = arith.muli %add3A, %mul3A_1 : i32
    "tpu.region"() ({
      %run_scoped3A = tpu.sem_alloc : memref<!tpu.dma_semaphore, #tpu.memory_space<semaphore_mem>>
      tpu.enqueue_dma source(%arg4 : memref<1x1024xf32, #tpu.memory_space<hbm>>) target(%arg10 : memref<1x1024xf32, #tpu.memory_space<vmem>>) target_semaphore(%run_scoped3A : memref<!tpu.dma_semaphore, #tpu.memory_space<semaphore_mem>>)
      tpu.wait_dma2 semaphore(%run_scoped3A : memref<!tpu.dma_semaphore, #tpu.memory_space<semaphore_mem>>) src(%arg4 : memref<1x1024xf32, #tpu.memory_space<hbm>>) dst(%arg10 : memref<1x1024xf32, #tpu.memory_space<vmem>>)
      tpu.yield
    }) : () -> ()
    "tpu.region"() ({
      %run_scoped3A = tpu.sem_alloc : memref<!tpu.dma_semaphore, #tpu.memory_space<semaphore_mem>>
      tpu.enqueue_dma source(%arg5 : memref<1x1024xf32, #tpu.memory_space<hbm>>) target(%arg11 : memref<1x1024xf32, #tpu.memory_space<vmem>>) target_semaphore(%run_scoped3A : memref<!tpu.dma_semaphore, #tpu.memory_space<semaphore_mem>>)
      tpu.wait_dma2 semaphore(%run_scoped3A : memref<!tpu.dma_semaphore, #tpu.memory_space<semaphore_mem>>) src(%arg5 : memref<1x1024xf32, #tpu.memory_space<hbm>>) dst(%arg11 : memref<1x1024xf32, #tpu.memory_space<vmem>>)
      tpu.yield
    }) : () -> ()
    "tpu.region"() ({
      %run_scoped3A = tpu.sem_alloc : memref<!tpu.dma_semaphore, #tpu.memory_space<semaphore_mem>>
      %dma_start3A_25 = tpu.memref_slice %arg3[%mul3A_2] : memref<32768xf32, #tpu.memory_space<hbm>> -> memref<1024xf32, #tpu.memory_space<hbm>>
      %dma_start3A_26 = tpu.memref_slice %arg3[%mul3A_2] : memref<32768xf32, #tpu.memory_space<hbm>> -> memref<1024xf32, #tpu.memory_space<hbm>>
      tpu.enqueue_dma source(%dma_start3A_26 : memref<1024xf32, #tpu.memory_space<hbm>>) target(%arg9 : memref<1024xf32, #tpu.memory_space<vmem>>) target_semaphore(%run_scoped3A : memref<!tpu.dma_semaphore, #tpu.memory_space<semaphore_mem>>)
      %dma_wait3A_27 = tpu.memref_slice %arg3[%mul3A_2] : memref<32768xf32, #tpu.memory_space<hbm>> -> memref<1024xf32, #tpu.memory_space<hbm>>
      %dma_wait3A_28 = tpu.memref_slice %arg3[%mul3A_2] : memref<32768xf32, #tpu.memory_space<hbm>> -> memref<1024xf32, #tpu.memory_space<hbm>>
      tpu.wait_dma2 semaphore(%run_scoped3A : memref<!tpu.dma_semaphore, #tpu.memory_space<semaphore_mem>>) src(%dma_wait3A_28 : memref<1024xf32, #tpu.memory_space<hbm>>) dst(%arg9 : memref<1024xf32, #tpu.memory_space<vmem>>)
      tpu.yield
    }) : () -> ()
    %add3A_3 = arith.constant 0 : i32
    %add3A_4 = arith.addi %mul3A_2, %add3A_3 : i32
    %dma_start3A = arith.constant 0 : i32
    %dma_start3A_5 = tpu.memref_slice %arg2[%add3A_4, %dma_start3A] : memref<32768x1024xf32, #tpu.memory_space<hbm>> -> memref<32x1024xf32, #tpu.memory_space<hbm>>
    %dma_start3A_6 = arith.constant 0 : i32
    %dma_start3A_7 = tpu.memref_slice %arg2[%add3A_4, %dma_start3A_6] : memref<32768x1024xf32, #tpu.memory_space<hbm>> -> memref<32x1024xf32, #tpu.memory_space<hbm>>
    tpu.enqueue_dma source(%dma_start3A_7 : memref<32x1024xf32, #tpu.memory_space<hbm>>) target(%arg7 : memref<32x1024xf32, #tpu.memory_space<vmem>>) target_semaphore(%arg12 : memref<!tpu.dma_semaphore, #tpu.memory_space<semaphore_mem>>)
    %scan3A = arith.constant 0 : i32
    %scan3A_8 = arith.constant 0 : i32
    %scan3A_9 = arith.constant 16 : i32
    %scan3A_10 = arith.addi %scan3A_8, %scan3A_9 : i32
    %scan3A_11 = arith.constant 1 : i32
    %scan3A_12 = scf.for %scan3A_25 = %scan3A_8 to %scan3A_10 step %scan3A_11 iter_args(%scan3A_26 = %scan3A) -> (i32)  : i32 {
      %mul3A_27 = arith.constant 2 : i32
      %mul3A_28 = arith.muli %mul3A_27, %scan3A_25 : i32
      %gt3A = arith.constant 0 : i32
      %gt3A_29 = arith.cmpi sgt, %scan3A_25, %gt3A : i32
      %convert_element_type3A = arith.extui %gt3A_29 : i1 to i32
      %cond3A = arith.constant 0 : i32
      %cond3A_30 = arith.cmpi ne, %convert_element_type3A, %cond3A : i32
      scf.if %cond3A_30 {
        %sub3A = arith.constant 1 : i32
        %sub3A_93 = arith.subi %mul3A_28, %sub3A : i32
        %mul3A_94 = arith.constant 32 : i32
        %mul3A_95 = arith.muli %sub3A_93, %mul3A_94 : i32
        %add3A_96 = arith.addi %mul3A_2, %mul3A_95 : i32
        %dma_wait3A_97 = arith.constant 0 : i32
        %dma_wait3A_98 = tpu.memref_slice %arg6[%add3A_96, %dma_wait3A_97] : memref<32768x1024xf32, #tpu.memory_space<hbm>> -> memref<32x1024xf32, #tpu.memory_space<hbm>>
        %dma_wait3A_99 = arith.constant 0 : i32
        %dma_wait3A_100 = tpu.memref_slice %arg6[%add3A_96, %dma_wait3A_99] : memref<32768x1024xf32, #tpu.memory_space<hbm>> -> memref<32x1024xf32, #tpu.memory_space<hbm>>
        tpu.wait_dma2 semaphore(%arg15 : memref<!tpu.dma_semaphore, #tpu.memory_space<semaphore_mem>>) src(%arg8 : memref<32x1024xf32, #tpu.memory_space<vmem>>) dst(%dma_wait3A_100 : memref<32x1024xf32, #tpu.memory_space<hbm>>)
      } else {
      }
      %add3A_31 = arith.constant 1 : i32
      %add3A_32 = arith.addi %mul3A_28, %add3A_31 : i32
      %mul3A_33 = arith.constant 32 : i32
      %mul3A_34 = arith.muli %add3A_32, %mul3A_33 : i32
      %add3A_35 = arith.addi %mul3A_2, %mul3A_34 : i32
      %dma_start3A_36 = arith.constant 0 : i32
      %dma_start3A_37 = tpu.memref_slice %arg2[%add3A_35, %dma_start3A_36] : memref<32768x1024xf32, #tpu.memory_space<hbm>> -> memref<32x1024xf32, #tpu.memory_space<hbm>>
      %dma_start3A_38 = arith.constant 0 : i32
      %dma_start3A_39 = tpu.memref_slice %arg2[%add3A_35, %dma_start3A_38] : memref<32768x1024xf32, #tpu.memory_space<hbm>> -> memref<32x1024xf32, #tpu.memory_space<hbm>>
      tpu.enqueue_dma source(%dma_start3A_39 : memref<32x1024xf32, #tpu.memory_space<hbm>>) target(%arg8 : memref<32x1024xf32, #tpu.memory_space<vmem>>) target_semaphore(%arg13 : memref<!tpu.dma_semaphore, #tpu.memory_space<semaphore_mem>>)
      %mul3A_40 = arith.constant 32 : i32
      %mul3A_41 = arith.muli %mul3A_28, %mul3A_40 : i32
      %add3A_42 = arith.addi %mul3A_2, %mul3A_41 : i32
      %dma_wait3A_43 = arith.constant 0 : i32
      %dma_wait3A_44 = tpu.memref_slice %arg2[%add3A_42, %dma_wait3A_43] : memref<32768x1024xf32, #tpu.memory_space<hbm>> -> memref<32x1024xf32, #tpu.memory_space<hbm>>
      %dma_wait3A_45 = arith.constant 0 : i32
      %dma_wait3A_46 = tpu.memref_slice %arg2[%add3A_42, %dma_wait3A_45] : memref<32768x1024xf32, #tpu.memory_space<hbm>> -> memref<32x1024xf32, #tpu.memory_space<hbm>>
      tpu.wait_dma2 semaphore(%arg12 : memref<!tpu.dma_semaphore, #tpu.memory_space<semaphore_mem>>) src(%dma_wait3A_46 : memref<32x1024xf32, #tpu.memory_space<hbm>>) dst(%arg7 : memref<32x1024xf32, #tpu.memory_space<vmem>>)
      %scan3A_47 = arith.constant 0 : i32
      %scan3A_48 = arith.constant 0 : i32
      %scan3A_49 = arith.constant 2 : i32
      %scan3A_50 = arith.addi %scan3A_48, %scan3A_49 : i32
      %scan3A_51 = arith.constant 1 : i32
      %scan3A_52 = scf.for %scan3A_93 = %scan3A_48 to %scan3A_50 step %scan3A_51 iter_args(%scan3A_94 = %scan3A_47) -> (i32)  : i32 {
        %mul3A_95 = arith.constant 32 : i32
        %mul3A_96 = arith.muli %mul3A_28, %mul3A_95 : i32
        %mul3A_97 = arith.constant 16 : i32
        %mul3A_98 = arith.muli %scan3A_93, %mul3A_97 : i32
        %add3A_99 = arith.addi %mul3A_96, %mul3A_98 : i32
        %get3A = arith.index_cast %add3A_99 : i32 to index
        %get3A_100 = tpu.vector_load %arg9[%get3A] {strides = array<i32>} : memref<1024xf32, #tpu.memory_space<vmem>>, vector<16xf32>,
        %get3A_101 = vector.shape_cast %get3A_100 : vector<16xf32> to vector<16xf32>
        %mul3A_102 = arith.constant 16 : i32
        %mul3A_103 = arith.muli %scan3A_93, %mul3A_102 : i32
        %add3A_104 = arith.constant 0 : i32
        %add3A_105 = arith.addi %mul3A_103, %add3A_104 : i32
        %slice3A = vector.extract_strided_slice %get3A_101 {offsets = [0], sizes = [1], strides = [1]} : vector<16xf32> to vector<1xf32>
        %squeeze3A = vector.extract %slice3A[0] : f32 from vector<1xf32>
        %gt3A_106 = arith.constant 0.000000e+00 : f32
        %gt3A_107 = arith.cmpf ogt, %squeeze3A, %gt3A_106 : f32
        %convert_element_type3A_108 = arith.extui %gt3A_107 : i1 to i32
        %cond3A_109 = arith.constant 0 : i32
        %cond3A_110 = arith.cmpi ne, %convert_element_type3A_108, %cond3A_109 : i32
        scf.if %cond3A_110 {
        } else {
        }
        %mul3A_111 = arith.constant 16 : i32
        %mul3A_112 = arith.muli %scan3A_93, %mul3A_111 : i32
        %add3A_113 = arith.constant 1 : i32
        %add3A_114 = arith.addi %mul3A_112, %add3A_113 : i32
        %slice3A_115 = vector.extract_strided_slice %get3A_101 {offsets = [1], sizes = [1], strides = [1]} : vector<16xf32> to vector<1xf32>
        %squeeze3A_116 = vector.extract %slice3A_115[0] : f32 from vector<1xf32>
        %gt3A_117 = arith.constant 0.000000e+00 : f32
        %gt3A_118 = arith.cmpf ogt, %squeeze3A_116, %gt3A_117 : f32
        %convert_element_type3A_119 = arith.extui %gt3A_118 : i1 to i32
        %cond3A_120 = arith.constant 0 : i32
        %cond3A_121 = arith.cmpi ne, %convert_element_type3A_119, %cond3A_120 : i32
        scf.if %cond3A_121 {
        } else {
        }
        %mul3A_122 = arith.constant 16 : i32
        %mul3A_123 = arith.muli %scan3A_93, %mul3A_122 : i32
        %add3A_124 = arith.constant 2 : i32
        %add3A_125 = arith.addi %mul3A_123, %add3A_124 : i32
        %slice3A_126 = vector.extract_strided_slice %get3A_101 {offsets = [2], sizes = [1], strides = [1]} : vector<16xf32> to vector<1xf32>
        %squeeze3A_127 = vector.extract %slice3A_126[0] : f32 from vector<1xf32>
        %gt3A_128 = arith.constant 0.000000e+00 : f32
        %gt3A_129 = arith.cmpf ogt, %squeeze3A_127, %gt3A_128 : f32
        %convert_element_type3A_130 = arith.extui %gt3A_129 : i1 to i32
        %cond3A_131 = arith.constant 0 : i32
        %cond3A_132 = arith.cmpi ne, %convert_element_type3A_130, %cond3A_131 : i32
        scf.if %cond3A_132 {
        } else {
        }
        %mul3A_133 = arith.constant 16 : i32
        %mul3A_134 = arith.muli %scan3A_93, %mul3A_133 : i32
        %add3A_135 = arith.constant 3 : i32
        %add3A_136 = arith.addi %mul3A_134, %add3A_135 : i32
        %slice3A_137 = vector.extract_strided_slice %get3A_101 {offsets = [3], sizes = [1], strides = [1]} : vector<16xf32> to vector<1xf32>
        %squeeze3A_138 = vector.extract %slice3A_137[0] : f32 from vector<1xf32>
        %gt3A_139 = arith.constant 0.000000e+00 : f32
        %gt3A_140 = arith.cmpf ogt, %squeeze3A_138, %gt3A_139 : f32
        %convert_element_type3A_141 = arith.extui %gt3A_140 : i1 to i32
        %cond3A_142 = arith.constant 0 : i32
        %cond3A_143 = arith.cmpi ne, %convert_element_type3A_141, %cond3A_142 : i32
        scf.if %cond3A_143 {
        } else {
        }
        %mul3A_144 = arith.constant 16 : i32
        %mul3A_145 = arith.muli %scan3A_93, %mul3A_144 : i32
        %add3A_146 = arith.constant 4 : i32
        %add3A_147 = arith.addi %mul3A_145, %add3A_146 : i32
        %slice3A_148 = vector.extract_strided_slice %get3A_101 {offsets = [4], sizes = [1], strides = [1]} : vector<16xf32> to vector<1xf32>
        %squeeze3A_149 = vector.extract %slice3A_148[0] : f32 from vector<1xf32>
        %gt3A_150 = arith.constant 0.000000e+00 : f32
        %gt3A_151 = arith.cmpf ogt, %squeeze3A_149, %gt3A_150 : f32
        %convert_element_type3A_152 = arith.extui %gt3A_151 : i1 to i32
        %cond3A_153 = arith.constant 0 : i32
        %cond3A_154 = arith.cmpi ne, %convert_element_type3A_152, %cond3A_153 : i32
        scf.if %cond3A_154 {
        } else {
        }
        %mul3A_155 = arith.constant 16 : i32
        %mul3A_156 = arith.muli %scan3A_93, %mul3A_155 : i32
        %add3A_157 = arith.constant 5 : i32
        %add3A_158 = arith.addi %mul3A_156, %add3A_157 : i32
        %slice3A_159 = vector.extract_strided_slice %get3A_101 {offsets = [5], sizes = [1], strides = [1]} : vector<16xf32> to vector<1xf32>
        %squeeze3A_160 = vector.extract %slice3A_159[0] : f32 from vector<1xf32>
        %gt3A_161 = arith.constant 0.000000e+00 : f32
        %gt3A_162 = arith.cmpf ogt, %squeeze3A_160, %gt3A_161 : f32
        %convert_element_type3A_163 = arith.extui %gt3A_162 : i1 to i32
        %cond3A_164 = arith.constant 0 : i32
        %cond3A_165 = arith.cmpi ne, %convert_element_type3A_163, %cond3A_164 : i32
        scf.if %cond3A_165 {
        } else {
        }
        %mul3A_166 = arith.constant 16 : i32
        %mul3A_167 = arith.muli %scan3A_93, %mul3A_166 : i32
        %add3A_168 = arith.constant 6 : i32
        %add3A_169 = arith.addi %mul3A_167, %add3A_168 : i32
        %slice3A_170 = vector.extract_strided_slice %get3A_101 {offsets = [6], sizes = [1], strides = [1]} : vector<16xf32> to vector<1xf32>
        %squeeze3A_171 = vector.extract %slice3A_170[0] : f32 from vector<1xf32>
        %gt3A_172 = arith.constant 0.000000e+00 : f32
        %gt3A_173 = arith.cmpf ogt, %squeeze3A_171, %gt3A_172 : f32
        %convert_element_type3A_174 = arith.extui %gt3A_173 : i1 to i32
        %cond3A_175 = arith.constant 0 : i32
        %cond3A_176 = arith.cmpi ne, %convert_element_type3A_174, %cond3A_175 : i32
        scf.if %cond3A_176 {
        } else {
        }
        %mul3A_177 = arith.constant 16 : i32
        %mul3A_178 = arith.muli %scan3A_93, %mul3A_177 : i32
        %add3A_179 = arith.constant 7 : i32
        %add3A_180 = arith.addi %mul3A_178, %add3A_179 : i32
        %slice3A_181 = vector.extract_strided_slice %get3A_101 {offsets = [7], sizes = [1], strides = [1]} : vector<16xf32> to vector<1xf32>
        %squeeze3A_182 = vector.extract %slice3A_181[0] : f32 from vector<1xf32>
        %gt3A_183 = arith.constant 0.000000e+00 : f32
        %gt3A_184 = arith.cmpf ogt, %squeeze3A_182, %gt3A_183 : f32
        %convert_element_type3A_185 = arith.extui %gt3A_184 : i1 to i32
        %cond3A_186 = arith.constant 0 : i32
        %cond3A_187 = arith.cmpi ne, %convert_element_type3A_185, %cond3A_186 : i32
        scf.if %cond3A_187 {
        } else {
        }
        %mul3A_188 = arith.constant 16 : i32
        %mul3A_189 = arith.muli %scan3A_93, %mul3A_188 : i32
        %add3A_190 = arith.constant 8 : i32
        %add3A_191 = arith.addi %mul3A_189, %add3A_190 : i32
        %slice3A_192 = vector.extract_strided_slice %get3A_101 {offsets = [8], sizes = [1], strides = [1]} : vector<16xf32> to vector<1xf32>
        %squeeze3A_193 = vector.extract %slice3A_192[0] : f32 from vector<1xf32>
        %gt3A_194 = arith.constant 0.000000e+00 : f32
        %gt3A_195 = arith.cmpf ogt, %squeeze3A_193, %gt3A_194 : f32
        %convert_element_type3A_196 = arith.extui %gt3A_195 : i1 to i32
        %cond3A_197 = arith.constant 0 : i32
        %cond3A_198 = arith.cmpi ne, %convert_element_type3A_196, %cond3A_197 : i32
        scf.if %cond3A_198 {
        } else {
        }
        %mul3A_199 = arith.constant 16 : i32
        %mul3A_200 = arith.muli %scan3A_93, %mul3A_199 : i32
        %add3A_201 = arith.constant 9 : i32
        %add3A_202 = arith.addi %mul3A_200, %add3A_201 : i32
        %slice3A_203 = vector.extract_strided_slice %get3A_101 {offsets = [9], sizes = [1], strides = [1]} : vector<16xf32> to vector<1xf32>
        %squeeze3A_204 = vector.extract %slice3A_203[0] : f32 from vector<1xf32>
        %gt3A_205 = arith.constant 0.000000e+00 : f32
        %gt3A_206 = arith.cmpf ogt, %squeeze3A_204, %gt3A_205 : f32
        %convert_element_type3A_207 = arith.extui %gt3A_206 : i1 to i32
        %cond3A_208 = arith.constant 0 : i32
        %cond3A_209 = arith.cmpi ne, %convert_element_type3A_207, %cond3A_208 : i32
        scf.if %cond3A_209 {
        } else {
        }
        %mul3A_210 = arith.constant 16 : i32
        %mul3A_211 = arith.muli %scan3A_93, %mul3A_210 : i32
        %add3A_212 = arith.constant 10 : i32
        %add3A_213 = arith.addi %mul3A_211, %add3A_212 : i32
        %slice3A_214 = vector.extract_strided_slice %get3A_101 {offsets = [10], sizes = [1], strides = [1]} : vector<16xf32> to vector<1xf32>
        %squeeze3A_215 = vector.extract %slice3A_214[0] : f32 from vector<1xf32>
        %gt3A_216 = arith.constant 0.000000e+00 : f32
        %gt3A_217 = arith.cmpf ogt, %squeeze3A_215, %gt3A_216 : f32
        %convert_element_type3A_218 = arith.extui %gt3A_217 : i1 to i32
        %cond3A_219 = arith.constant 0 : i32
        %cond3A_220 = arith.cmpi ne, %convert_element_type3A_218, %cond3A_219 : i32
        scf.if %cond3A_220 {
        } else {
        }
        %mul3A_221 = arith.constant 16 : i32
        %mul3A_222 = arith.muli %scan3A_93, %mul3A_221 : i32
        %add3A_223 = arith.constant 11 : i32
        %add3A_224 = arith.addi %mul3A_222, %add3A_223 : i32
        %slice3A_225 = vector.extract_strided_slice %get3A_101 {offsets = [11], sizes = [1], strides = [1]} : vector<16xf32> to vector<1xf32>
        %squeeze3A_226 = vector.extract %slice3A_225[0] : f32 from vector<1xf32>
        %gt3A_227 = arith.constant 0.000000e+00 : f32
        %gt3A_228 = arith.cmpf ogt, %squeeze3A_226, %gt3A_227 : f32
        %convert_element_type3A_229 = arith.extui %gt3A_228 : i1 to i32
        %cond3A_230 = arith.constant 0 : i32
        %cond3A_231 = arith.cmpi ne, %convert_element_type3A_229, %cond3A_230 : i32
        scf.if %cond3A_231 {
        } else {
        }
        %mul3A_232 = arith.constant 16 : i32
        %mul3A_233 = arith.muli %scan3A_93, %mul3A_232 : i32
        %add3A_234 = arith.constant 12 : i32
        %add3A_235 = arith.addi %mul3A_233, %add3A_234 : i32
        %slice3A_236 = vector.extract_strided_slice %get3A_101 {offsets = [12], sizes = [1], strides = [1]} : vector<16xf32> to vector<1xf32>
        %squeeze3A_237 = vector.extract %slice3A_236[0] : f32 from vector<1xf32>
        %gt3A_238 = arith.constant 0.000000e+00 : f32
        %gt3A_239 = arith.cmpf ogt, %squeeze3A_237, %gt3A_238 : f32
        %convert_element_type3A_240 = arith.extui %gt3A_239 : i1 to i32
        %cond3A_241 = arith.constant 0 : i32
        %cond3A_242 = arith.cmpi ne, %convert_element_type3A_240, %cond3A_241 : i32
        scf.if %cond3A_242 {
        } else {
        }
        %mul3A_243 = arith.constant 16 : i32
        %mul3A_244 = arith.muli %scan3A_93, %mul3A_243 : i32
        %add3A_245 = arith.constant 13 : i32
        %add3A_246 = arith.addi %mul3A_244, %add3A_245 : i32
        %slice3A_247 = vector.extract_strided_slice %get3A_101 {offsets = [13], sizes = [1], strides = [1]} : vector<16xf32> to vector<1xf32>
        %squeeze3A_248 = vector.extract %slice3A_247[0] : f32 from vector<1xf32>
        %gt3A_249 = arith.constant 0.000000e+00 : f32
        %gt3A_250 = arith.cmpf ogt, %squeeze3A_248, %gt3A_249 : f32
        %convert_element_type3A_251 = arith.extui %gt3A_250 : i1 to i32
        %cond3A_252 = arith.constant 0 : i32
        %cond3A_253 = arith.cmpi ne, %convert_element_type3A_251, %cond3A_252 : i32
        scf.if %cond3A_253 {
        } else {
        }
        %mul3A_254 = arith.constant 16 : i32
        %mul3A_255 = arith.muli %scan3A_93, %mul3A_254 : i32
        %add3A_256 = arith.constant 14 : i32
        %add3A_257 = arith.addi %mul3A_255, %add3A_256 : i32
        %slice3A_258 = vector.extract_strided_slice %get3A_101 {offsets = [14], sizes = [1], strides = [1]} : vector<16xf32> to vector<1xf32>
        %squeeze3A_259 = vector.extract %slice3A_258[0] : f32 from vector<1xf32>
        %gt3A_260 = arith.constant 0.000000e+00 : f32
        %gt3A_261 = arith.cmpf ogt, %squeeze3A_259, %gt3A_260 : f32
        %convert_element_type3A_262 = arith.extui %gt3A_261 : i1 to i32
        %cond3A_263 = arith.constant 0 : i32
        %cond3A_264 = arith.cmpi ne, %convert_element_type3A_262, %cond3A_263 : i32
        scf.if %cond3A_264 {
        } else {
        }
        %mul3A_265 = arith.constant 16 : i32
        %mul3A_266 = arith.muli %scan3A_93, %mul3A_265 : i32
        %add3A_267 = arith.constant 15 : i32
        %add3A_268 = arith.addi %mul3A_266, %add3A_267 : i32
        %slice3A_269 = vector.extract_strided_slice %get3A_101 {offsets = [15], sizes = [1], strides = [1]} : vector<16xf32> to vector<1xf32>
        %squeeze3A_270 = vector.extract %slice3A_269[0] : f32 from vector<1xf32>
        %gt3A_271 = arith.constant 0.000000e+00 : f32
        %gt3A_272 = arith.cmpf ogt, %squeeze3A_270, %gt3A_271 : f32
        %convert_element_type3A_273 = arith.extui %gt3A_272 : i1 to i32
        %cond3A_274 = arith.constant 0 : i32
        %cond3A_275 = arith.cmpi ne, %convert_element_type3A_273, %cond3A_274 : i32
        scf.if %cond3A_275 {
        } else {
        }
        %scan3A_276 = arith.constant 0 : i32
        scf.yield %scan3A_276 : i32
      }
      %scan3A_53 = arith.constant 2 : i32
      %mul3A_54 = arith.constant 32 : i32
      %mul3A_55 = arith.muli %mul3A_28, %mul3A_54 : i32
      %add3A_56 = arith.addi %mul3A_2, %mul3A_55 : i32
      %dma_start3A_57 = arith.constant 0 : i32
      %dma_start3A_58 = tpu.memref_slice %arg6[%add3A_56, %dma_start3A_57] : memref<32768x1024xf32, #tpu.memory_space<hbm>> -> memref<32x1024xf32, #tpu.memory_space<hbm>>
      %dma_start3A_59 = arith.constant 0 : i32
      %dma_start3A_60 = tpu.memref_slice %arg6[%add3A_56, %dma_start3A_59] : memref<32768x1024xf32, #tpu.memory_space<hbm>> -> memref<32x1024xf32, #tpu.memory_space<hbm>>
      tpu.enqueue_dma source(%arg7 : memref<32x1024xf32, #tpu.memory_space<vmem>>) target(%dma_start3A_60 : memref<32x1024xf32, #tpu.memory_space<hbm>>) target_semaphore(%arg14 : memref<!tpu.dma_semaphore, #tpu.memory_space<semaphore_mem>>)
      %add3A_61 = arith.constant 1 : i32
      %add3A_62 = arith.addi %mul3A_28, %add3A_61 : i32
      %mul3A_63 = arith.constant 32 : i32
      %mul3A_64 = arith.muli %add3A_62, %mul3A_63 : i32
      %add3A_65 = arith.addi %mul3A_2, %mul3A_64 : i32
      %dma_wait3A_66 = arith.constant 0 : i32
      %dma_wait3A_67 = tpu.memref_slice %arg2[%add3A_65, %dma_wait3A_66] : memref<32768x1024xf32, #tpu.memory_space<hbm>> -> memref<32x1024xf32, #tpu.memory_space<hbm>>
      %dma_wait3A_68 = arith.constant 0 : i32
      %dma_wait3A_69 = tpu.memref_slice %arg2[%add3A_65, %dma_wait3A_68] : memref<32768x1024xf32, #tpu.memory_space<hbm>> -> memref<32x1024xf32, #tpu.memory_space<hbm>>
      tpu.wait_dma2 semaphore(%arg13 : memref<!tpu.dma_semaphore, #tpu.memory_space<semaphore_mem>>) src(%dma_wait3A_69 : memref<32x1024xf32, #tpu.memory_space<hbm>>) dst(%arg8 : memref<32x1024xf32, #tpu.memory_space<vmem>>)
      %add3A_70 = arith.constant 1 : i32
      %add3A_71 = arith.addi %mul3A_28, %add3A_70 : i32
      %scan3A_72 = arith.constant 0 : i32
      %scan3A_73 = arith.constant 0 : i32
      %scan3A_74 = arith.constant 2 : i32
      %scan3A_75 = arith.addi %scan3A_73, %scan3A_74 : i32
      %scan3A_76 = arith.constant 1 : i32
      %scan3A_77 = scf.for %scan3A_93 = %scan3A_73 to %scan3A_75 step %scan3A_76 iter_args(%scan3A_94 = %scan3A_72) -> (i32)  : i32 {
        %mul3A_95 = arith.constant 32 : i32
        %mul3A_96 = arith.muli %add3A_71, %mul3A_95 : i32
        %mul3A_97 = arith.constant 16 : i32
        %mul3A_98 = arith.muli %scan3A_93, %mul3A_97 : i32
        %add3A_99 = arith.addi %mul3A_96, %mul3A_98 : i32
        %get3A = arith.index_cast %add3A_99 : i32 to index
        %get3A_100 = tpu.vector_load %arg9[%get3A] {strides = array<i32>} : memref<1024xf32, #tpu.memory_space<vmem>>, vector<16xf32>,
        %get3A_101 = vector.shape_cast %get3A_100 : vector<16xf32> to vector<16xf32>
        %mul3A_102 = arith.constant 16 : i32
        %mul3A_103 = arith.muli %scan3A_93, %mul3A_102 : i32
        %add3A_104 = arith.constant 0 : i32
        %add3A_105 = arith.addi %mul3A_103, %add3A_104 : i32
        %slice3A = vector.extract_strided_slice %get3A_101 {offsets = [0], sizes = [1], strides = [1]} : vector<16xf32> to vector<1xf32>
        %squeeze3A = vector.extract %slice3A[0] : f32 from vector<1xf32>
        %gt3A_106 = arith.constant 0.000000e+00 : f32
        %gt3A_107 = arith.cmpf ogt, %squeeze3A, %gt3A_106 : f32
        %convert_element_type3A_108 = arith.extui %gt3A_107 : i1 to i32
        %cond3A_109 = arith.constant 0 : i32
        %cond3A_110 = arith.cmpi ne, %convert_element_type3A_108, %cond3A_109 : i32
        scf.if %cond3A_110 {
        } else {
        }
        %mul3A_111 = arith.constant 16 : i32
        %mul3A_112 = arith.muli %scan3A_93, %mul3A_111 : i32
        %add3A_113 = arith.constant 1 : i32
        %add3A_114 = arith.addi %mul3A_112, %add3A_113 : i32
        %slice3A_115 = vector.extract_strided_slice %get3A_101 {offsets = [1], sizes = [1], strides = [1]} : vector<16xf32> to vector<1xf32>
        %squeeze3A_116 = vector.extract %slice3A_115[0] : f32 from vector<1xf32>
        %gt3A_117 = arith.constant 0.000000e+00 : f32
        %gt3A_118 = arith.cmpf ogt, %squeeze3A_116, %gt3A_117 : f32
        %convert_element_type3A_119 = arith.extui %gt3A_118 : i1 to i32
        %cond3A_120 = arith.constant 0 : i32
        %cond3A_121 = arith.cmpi ne, %convert_element_type3A_119, %cond3A_120 : i32
        scf.if %cond3A_121 {
        } else {
        }
        %mul3A_122 = arith.constant 16 : i32
        %mul3A_123 = arith.muli %scan3A_93, %mul3A_122 : i32
        %add3A_124 = arith.constant 2 : i32
        %add3A_125 = arith.addi %mul3A_123, %add3A_124 : i32
        %slice3A_126 = vector.extract_strided_slice %get3A_101 {offsets = [2], sizes = [1], strides = [1]} : vector<16xf32> to vector<1xf32>
        %squeeze3A_127 = vector.extract %slice3A_126[0] : f32 from vector<1xf32>
        %gt3A_128 = arith.constant 0.000000e+00 : f32
        %gt3A_129 = arith.cmpf ogt, %squeeze3A_127, %gt3A_128 : f32
        %convert_element_type3A_130 = arith.extui %gt3A_129 : i1 to i32
        %cond3A_131 = arith.constant 0 : i32
        %cond3A_132 = arith.cmpi ne, %convert_element_type3A_130, %cond3A_131 : i32
        scf.if %cond3A_132 {
        } else {
        }
        %mul3A_133 = arith.constant 16 : i32
        %mul3A_134 = arith.muli %scan3A_93, %mul3A_133 : i32
        %add3A_135 = arith.constant 3 : i32
        %add3A_136 = arith.addi %mul3A_134, %add3A_135 : i32
        %slice3A_137 = vector.extract_strided_slice %get3A_101 {offsets = [3], sizes = [1], strides = [1]} : vector<16xf32> to vector<1xf32>
        %squeeze3A_138 = vector.extract %slice3A_137[0] : f32 from vector<1xf32>
        %gt3A_139 = arith.constant 0.000000e+00 : f32
        %gt3A_140 = arith.cmpf ogt, %squeeze3A_138, %gt3A_139 : f32
        %convert_element_type3A_141 = arith.extui %gt3A_140 : i1 to i32
        %cond3A_142 = arith.constant 0 : i32
        %cond3A_143 = arith.cmpi ne, %convert_element_type3A_141, %cond3A_142 : i32
        scf.if %cond3A_143 {
        } else {
        }
        %mul3A_144 = arith.constant 16 : i32
        %mul3A_145 = arith.muli %scan3A_93, %mul3A_144 : i32
        %add3A_146 = arith.constant 4 : i32
        %add3A_147 = arith.addi %mul3A_145, %add3A_146 : i32
        %slice3A_148 = vector.extract_strided_slice %get3A_101 {offsets = [4], sizes = [1], strides = [1]} : vector<16xf32> to vector<1xf32>
        %squeeze3A_149 = vector.extract %slice3A_148[0] : f32 from vector<1xf32>
        %gt3A_150 = arith.constant 0.000000e+00 : f32
        %gt3A_151 = arith.cmpf ogt, %squeeze3A_149, %gt3A_150 : f32
        %convert_element_type3A_152 = arith.extui %gt3A_151 : i1 to i32
        %cond3A_153 = arith.constant 0 : i32
        %cond3A_154 = arith.cmpi ne, %convert_element_type3A_152, %cond3A_153 : i32
        scf.if %cond3A_154 {
        } else {
        }
        %mul3A_155 = arith.constant 16 : i32
        %mul3A_156 = arith.muli %scan3A_93, %mul3A_155 : i32
        %add3A_157 = arith.constant 5 : i32
        %add3A_158 = arith.addi %mul3A_156, %add3A_157 : i32
        %slice3A_159 = vector.extract_strided_slice %get3A_101 {offsets = [5], sizes = [1], strides = [1]} : vector<16xf32> to vector<1xf32>
        %squeeze3A_160 = vector.extract %slice3A_159[0] : f32 from vector<1xf32>
        %gt3A_161 = arith.constant 0.000000e+00 : f32
        %gt3A_162 = arith.cmpf ogt, %squeeze3A_160, %gt3A_161 : f32
        %convert_element_type3A_163 = arith.extui %gt3A_162 : i1 to i32
        %cond3A_164 = arith.constant 0 : i32
        %cond3A_165 = arith.cmpi ne, %convert_element_type3A_163, %cond3A_164 : i32
        scf.if %cond3A_165 {
        } else {
        }
        %mul3A_166 = arith.constant 16 : i32
        %mul3A_167 = arith.muli %scan3A_93, %mul3A_166 : i32
        %add3A_168 = arith.constant 6 : i32
        %add3A_169 = arith.addi %mul3A_167, %add3A_168 : i32
        %slice3A_170 = vector.extract_strided_slice %get3A_101 {offsets = [6], sizes = [1], strides = [1]} : vector<16xf32> to vector<1xf32>
        %squeeze3A_171 = vector.extract %slice3A_170[0] : f32 from vector<1xf32>
        %gt3A_172 = arith.constant 0.000000e+00 : f32
        %gt3A_173 = arith.cmpf ogt, %squeeze3A_171, %gt3A_172 : f32
        %convert_element_type3A_174 = arith.extui %gt3A_173 : i1 to i32
        %cond3A_175 = arith.constant 0 : i32
        %cond3A_176 = arith.cmpi ne, %convert_element_type3A_174, %cond3A_175 : i32
        scf.if %cond3A_176 {
        } else {
        }
        %mul3A_177 = arith.constant 16 : i32
        %mul3A_178 = arith.muli %scan3A_93, %mul3A_177 : i32
        %add3A_179 = arith.constant 7 : i32
        %add3A_180 = arith.addi %mul3A_178, %add3A_179 : i32
        %slice3A_181 = vector.extract_strided_slice %get3A_101 {offsets = [7], sizes = [1], strides = [1]} : vector<16xf32> to vector<1xf32>
        %squeeze3A_182 = vector.extract %slice3A_181[0] : f32 from vector<1xf32>
        %gt3A_183 = arith.constant 0.000000e+00 : f32
        %gt3A_184 = arith.cmpf ogt, %squeeze3A_182, %gt3A_183 : f32
        %convert_element_type3A_185 = arith.extui %gt3A_184 : i1 to i32
        %cond3A_186 = arith.constant 0 : i32
        %cond3A_187 = arith.cmpi ne, %convert_element_type3A_185, %cond3A_186 : i32
        scf.if %cond3A_187 {
        } else {
        }
        %mul3A_188 = arith.constant 16 : i32
        %mul3A_189 = arith.muli %scan3A_93, %mul3A_188 : i32
        %add3A_190 = arith.constant 8 : i32
        %add3A_191 = arith.addi %mul3A_189, %add3A_190 : i32
        %slice3A_192 = vector.extract_strided_slice %get3A_101 {offsets = [8], sizes = [1], strides = [1]} : vector<16xf32> to vector<1xf32>
        %squeeze3A_193 = vector.extract %slice3A_192[0] : f32 from vector<1xf32>
        %gt3A_194 = arith.constant 0.000000e+00 : f32
        %gt3A_195 = arith.cmpf ogt, %squeeze3A_193, %gt3A_194 : f32
        %convert_element_type3A_196 = arith.extui %gt3A_195 : i1 to i32
        %cond3A_197 = arith.constant 0 : i32
        %cond3A_198 = arith.cmpi ne, %convert_element_type3A_196, %cond3A_197 : i32
        scf.if %cond3A_198 {
        } else {
        }
        %mul3A_199 = arith.constant 16 : i32
        %mul3A_200 = arith.muli %scan3A_93, %mul3A_199 : i32
        %add3A_201 = arith.constant 9 : i32
        %add3A_202 = arith.addi %mul3A_200, %add3A_201 : i32
        %slice3A_203 = vector.extract_strided_slice %get3A_101 {offsets = [9], sizes = [1], strides = [1]} : vector<16xf32> to vector<1xf32>
        %squeeze3A_204 = vector.extract %slice3A_203[0] : f32 from vector<1xf32>
        %gt3A_205 = arith.constant 0.000000e+00 : f32
        %gt3A_206 = arith.cmpf ogt, %squeeze3A_204, %gt3A_205 : f32
        %convert_element_type3A_207 = arith.extui %gt3A_206 : i1 to i32
        %cond3A_208 = arith.constant 0 : i32
        %cond3A_209 = arith.cmpi ne, %convert_element_type3A_207, %cond3A_208 : i32
        scf.if %cond3A_209 {
        } else {
        }
        %mul3A_210 = arith.constant 16 : i32
        %mul3A_211 = arith.muli %scan3A_93, %mul3A_210 : i32
        %add3A_212 = arith.constant 10 : i32
        %add3A_213 = arith.addi %mul3A_211, %add3A_212 : i32
        %slice3A_214 = vector.extract_strided_slice %get3A_101 {offsets = [10], sizes = [1], strides = [1]} : vector<16xf32> to vector<1xf32>
        %squeeze3A_215 = vector.extract %slice3A_214[0] : f32 from vector<1xf32>
        %gt3A_216 = arith.constant 0.000000e+00 : f32
        %gt3A_217 = arith.cmpf ogt, %squeeze3A_215, %gt3A_216 : f32
        %convert_element_type3A_218 = arith.extui %gt3A_217 : i1 to i32
        %cond3A_219 = arith.constant 0 : i32
        %cond3A_220 = arith.cmpi ne, %convert_element_type3A_218, %cond3A_219 : i32
        scf.if %cond3A_220 {
        } else {
        }
        %mul3A_221 = arith.constant 16 : i32
        %mul3A_222 = arith.muli %scan3A_93, %mul3A_221 : i32
        %add3A_223 = arith.constant 11 : i32
        %add3A_224 = arith.addi %mul3A_222, %add3A_223 : i32
        %slice3A_225 = vector.extract_strided_slice %get3A_101 {offsets = [11], sizes = [1], strides = [1]} : vector<16xf32> to vector<1xf32>
        %squeeze3A_226 = vector.extract %slice3A_225[0] : f32 from vector<1xf32>
        %gt3A_227 = arith.constant 0.000000e+00 : f32
        %gt3A_228 = arith.cmpf ogt, %squeeze3A_226, %gt3A_227 : f32
        %convert_element_type3A_229 = arith.extui %gt3A_228 : i1 to i32
        %cond3A_230 = arith.constant 0 : i32
        %cond3A_231 = arith.cmpi ne, %convert_element_type3A_229, %cond3A_230 : i32
        scf.if %cond3A_231 {
        } else {
        }
        %mul3A_232 = arith.constant 16 : i32
        %mul3A_233 = arith.muli %scan3A_93, %mul3A_232 : i32
        %add3A_234 = arith.constant 12 : i32
        %add3A_235 = arith.addi %mul3A_233, %add3A_234 : i32
        %slice3A_236 = vector.extract_strided_slice %get3A_101 {offsets = [12], sizes = [1], strides = [1]} : vector<16xf32> to vector<1xf32>
        %squeeze3A_237 = vector.extract %slice3A_236[0] : f32 from vector<1xf32>
        %gt3A_238 = arith.constant 0.000000e+00 : f32
        %gt3A_239 = arith.cmpf ogt, %squeeze3A_237, %gt3A_238 : f32
        %convert_element_type3A_240 = arith.extui %gt3A_239 : i1 to i32
        %cond3A_241 = arith.constant 0 : i32
        %cond3A_242 = arith.cmpi ne, %convert_element_type3A_240, %cond3A_241 : i32
        scf.if %cond3A_242 {
        } else {
        }
        %mul3A_243 = arith.constant 16 : i32
        %mul3A_244 = arith.muli %scan3A_93, %mul3A_243 : i32
        %add3A_245 = arith.constant 13 : i32
        %add3A_246 = arith.addi %mul3A_244, %add3A_245 : i32
        %slice3A_247 = vector.extract_strided_slice %get3A_101 {offsets = [13], sizes = [1], strides = [1]} : vector<16xf32> to vector<1xf32>
        %squeeze3A_248 = vector.extract %slice3A_247[0] : f32 from vector<1xf32>
        %gt3A_249 = arith.constant 0.000000e+00 : f32
        %gt3A_250 = arith.cmpf ogt, %squeeze3A_248, %gt3A_249 : f32
        %convert_element_type3A_251 = arith.extui %gt3A_250 : i1 to i32
        %cond3A_252 = arith.constant 0 : i32
        %cond3A_253 = arith.cmpi ne, %convert_element_type3A_251, %cond3A_252 : i32
        scf.if %cond3A_253 {
        } else {
        }
        %mul3A_254 = arith.constant 16 : i32
        %mul3A_255 = arith.muli %scan3A_93, %mul3A_254 : i32
        %add3A_256 = arith.constant 14 : i32
        %add3A_257 = arith.addi %mul3A_255, %add3A_256 : i32
        %slice3A_258 = vector.extract_strided_slice %get3A_101 {offsets = [14], sizes = [1], strides = [1]} : vector<16xf32> to vector<1xf32>
        %squeeze3A_259 = vector.extract %slice3A_258[0] : f32 from vector<1xf32>
        %gt3A_260 = arith.constant 0.000000e+00 : f32
        %gt3A_261 = arith.cmpf ogt, %squeeze3A_259, %gt3A_260 : f32
        %convert_element_type3A_262 = arith.extui %gt3A_261 : i1 to i32
        %cond3A_263 = arith.constant 0 : i32
        %cond3A_264 = arith.cmpi ne, %convert_element_type3A_262, %cond3A_263 : i32
        scf.if %cond3A_264 {
        } else {
        }
        %mul3A_265 = arith.constant 16 : i32
        %mul3A_266 = arith.muli %scan3A_93, %mul3A_265 : i32
        %add3A_267 = arith.constant 15 : i32
        %add3A_268 = arith.addi %mul3A_266, %add3A_267 : i32
        %slice3A_269 = vector.extract_strided_slice %get3A_101 {offsets = [15], sizes = [1], strides = [1]} : vector<16xf32> to vector<1xf32>
        %squeeze3A_270 = vector.extract %slice3A_269[0] : f32 from vector<1xf32>
        %gt3A_271 = arith.constant 0.000000e+00 : f32
        %gt3A_272 = arith.cmpf ogt, %squeeze3A_270, %gt3A_271 : f32
        %convert_element_type3A_273 = arith.extui %gt3A_272 : i1 to i32
        %cond3A_274 = arith.constant 0 : i32
        %cond3A_275 = arith.cmpi ne, %convert_element_type3A_273, %cond3A_274 : i32
        scf.if %cond3A_275 {
        } else {
        }
        %scan3A_276 = arith.constant 0 : i32
        scf.yield %scan3A_276 : i32
      }
      %scan3A_78 = arith.constant 2 : i32
      %add3A_79 = arith.constant 1 : i32
      %add3A_80 = arith.addi %mul3A_28, %add3A_79 : i32
      %mul3A_81 = arith.constant 32 : i32
      %mul3A_82 = arith.muli %add3A_80, %mul3A_81 : i32
      %add3A_83 = arith.addi %mul3A_2, %mul3A_82 : i32
      %dma_start3A_84 = arith.constant 0 : i32
      %dma_start3A_85 = tpu.memref_slice %arg6[%add3A_83, %dma_start3A_84] : memref<32768x1024xf32, #tpu.memory_space<hbm>> -> memref<32x1024xf32, #tpu.memory_space<hbm>>
      %dma_start3A_86 = arith.constant 0 : i32
      %dma_start3A_87 = tpu.memref_slice %arg6[%add3A_83, %dma_start3A_86] : memref<32768x1024xf32, #tpu.memory_space<hbm>> -> memref<32x1024xf32, #tpu.memory_space<hbm>>
      tpu.enqueue_dma source(%arg8 : memref<32x1024xf32, #tpu.memory_space<vmem>>) target(%dma_start3A_87 : memref<32x1024xf32, #tpu.memory_space<hbm>>) target_semaphore(%arg15 : memref<!tpu.dma_semaphore, #tpu.memory_space<semaphore_mem>>)
      %lt3A = arith.constant 15 : i32
      %lt3A_88 = arith.cmpi slt, %scan3A_25, %lt3A : i32
      %convert_element_type3A_89 = arith.extui %lt3A_88 : i1 to i32
      %cond3A_90 = arith.constant 0 : i32
      %cond3A_91 = arith.cmpi ne, %convert_element_type3A_89, %cond3A_90 : i32
      scf.if %cond3A_91 {
        %mul3A_93 = arith.constant 32 : i32
        %mul3A_94 = arith.muli %mul3A_28, %mul3A_93 : i32
        %add3A_95 = arith.addi %mul3A_2, %mul3A_94 : i32
        %dma_wait3A_96 = arith.constant 0 : i32
        %dma_wait3A_97 = tpu.memref_slice %arg6[%add3A_95, %dma_wait3A_96] : memref<32768x1024xf32, #tpu.memory_space<hbm>> -> memref<32x1024xf32, #tpu.memory_space<hbm>>
        %dma_wait3A_98 = arith.constant 0 : i32
        %dma_wait3A_99 = tpu.memref_slice %arg6[%add3A_95, %dma_wait3A_98] : memref<32768x1024xf32, #tpu.memory_space<hbm>> -> memref<32x1024xf32, #tpu.memory_space<hbm>>
        tpu.wait_dma2 semaphore(%arg14 : memref<!tpu.dma_semaphore, #tpu.memory_space<semaphore_mem>>) src(%arg7 : memref<32x1024xf32, #tpu.memory_space<vmem>>) dst(%dma_wait3A_99 : memref<32x1024xf32, #tpu.memory_space<hbm>>)
        %add3A_100 = arith.constant 2 : i32
        %add3A_101 = arith.addi %mul3A_28, %add3A_100 : i32
        %mul3A_102 = arith.constant 32 : i32
        %mul3A_103 = arith.muli %add3A_101, %mul3A_102 : i32
        %add3A_104 = arith.addi %mul3A_2, %mul3A_103 : i32
        %dma_start3A_105 = arith.constant 0 : i32
        %dma_start3A_106 = tpu.memref_slice %arg2[%add3A_104, %dma_start3A_105] : memref<32768x1024xf32, #tpu.memory_space<hbm>> -> memref<32x1024xf32, #tpu.memory_space<hbm>>
        %dma_start3A_107 = arith.constant 0 : i32
        %dma_start3A_108 = tpu.memref_slice %arg2[%add3A_104, %dma_start3A_107] : memref<32768x1024xf32, #tpu.memory_space<hbm>> -> memref<32x1024xf32, #tpu.memory_space<hbm>>
        tpu.enqueue_dma source(%dma_start3A_108 : memref<32x1024xf32, #tpu.memory_space<hbm>>) target(%arg7 : memref<32x1024xf32, #tpu.memory_space<vmem>>) target_semaphore(%arg12 : memref<!tpu.dma_semaphore, #tpu.memory_space<semaphore_mem>>)
      } else {
      }
      %scan3A_92 = arith.constant 0 : i32
      scf.yield %scan3A_92 : i32
    }
    %scan3A_13 = arith.constant 16 : i32
    %add3A_14 = arith.constant 960 : i32
    %add3A_15 = arith.addi %mul3A_2, %add3A_14 : i32
    %dma_wait3A = arith.constant 0 : i32
    %dma_wait3A_16 = tpu.memref_slice %arg6[%add3A_15, %dma_wait3A] : memref<32768x1024xf32, #tpu.memory_space<hbm>> -> memref<32x1024xf32, #tpu.memory_space<hbm>>
    %dma_wait3A_17 = arith.constant 0 : i32
    %dma_wait3A_18 = tpu.memref_slice %arg6[%add3A_15, %dma_wait3A_17] : memref<32768x1024xf32, #tpu.memory_space<hbm>> -> memref<32x1024xf32, #tpu.memory_space<hbm>>
    tpu.wait_dma2 semaphore(%arg14 : memref<!tpu.dma_semaphore, #tpu.memory_space<semaphore_mem>>) src(%arg7 : memref<32x1024xf32, #tpu.memory_space<vmem>>) dst(%dma_wait3A_18 : memref<32x1024xf32, #tpu.memory_space<hbm>>)
    %add3A_19 = arith.constant 992 : i32
    %add3A_20 = arith.addi %mul3A_2, %add3A_19 : i32
    %dma_wait3A_21 = arith.constant 0 : i32
    %dma_wait3A_22 = tpu.memref_slice %arg6[%add3A_20, %dma_wait3A_21] : memref<32768x1024xf32, #tpu.memory_space<hbm>> -> memref<32x1024xf32, #tpu.memory_space<hbm>>
    %dma_wait3A_23 = arith.constant 0 : i32
    %dma_wait3A_24 = tpu.memref_slice %arg6[%add3A_20, %dma_wait3A_23] : memref<32768x1024xf32, #tpu.memory_space<hbm>> -> memref<32x1024xf32, #tpu.memory_space<hbm>>
    tpu.wait_dma2 semaphore(%arg15 : memref<!tpu.dma_semaphore, #tpu.memory_space<semaphore_mem>>) src(%arg8 : memref<32x1024xf32, #tpu.memory_space<vmem>>) dst(%dma_wait3A_24 : memref<32x1024xf32, #tpu.memory_space<hbm>>)
    return
  }
}

module attributes {stable_mosaic.version = 14 : i64} {
  func.func @_sb_body(%arg0: memref<32x3x1024xf32, #tpu.memory_space<vmem>>, %arg1: memref<1x1024xf32, #tpu.memory_space<vmem>>, %arg2: memref<1x1024xf32, #tpu.memory_space<vmem>>, %arg3: memref<1x1024xf32, #tpu.memory_space<vmem>>, %arg4: memref<1x1024xf32, #tpu.memory_space<vmem>>) attributes {dimension_semantics = [], scalar_prefetch = 0 : i64, scratch_operands = 0 : i64, tpu.core_type = #tpu.core_type<tc>} {
    %get3A = arith.constant 0 : index
    %get3A_0 = arith.constant 0 : index
    %get3A_1 = arith.constant 0 : index
    %get3A_2 = vector.load %arg0[%get3A, %get3A_0, %get3A_1] : memref<32x3x1024xf32, #tpu.memory_space<vmem>>, vector<32x1x1024xf32>
    %get3A_3 = vector.shape_cast %get3A_2 : vector<32x1x1024xf32> to vector<32x1024xf32>
    %reduce_sum3A = arith.constant dense<0.000000e+00> : vector<1024xf32>
    %reduce_sum3A_4 = vector.multi_reduction <add>, %get3A_3, %reduce_sum3A [0] : vector<32x1024xf32> to vector<1024xf32>
    %broadcast_in_dim3A = vector.shape_cast %reduce_sum3A_4 : vector<1024xf32> to vector<1x1024xf32>
    %get3A_5 = arith.constant 0 : index
    %get3A_6 = arith.constant 1 : index
    %get3A_7 = arith.constant 0 : index
    %get3A_8 = vector.load %arg0[%get3A_5, %get3A_6, %get3A_7] : memref<32x3x1024xf32, #tpu.memory_space<vmem>>, vector<32x1x1024xf32>
    %get3A_9 = vector.shape_cast %get3A_8 : vector<32x1x1024xf32> to vector<32x1024xf32>
    %reduce_sum3A_10 = arith.constant dense<0.000000e+00> : vector<1024xf32>
    %reduce_sum3A_11 = vector.multi_reduction <add>, %get3A_9, %reduce_sum3A_10 [0] : vector<32x1024xf32> to vector<1024xf32>
    %broadcast_in_dim3A_12 = vector.shape_cast %reduce_sum3A_11 : vector<1024xf32> to vector<1x1024xf32>
    %get3A_13 = arith.constant 0 : index
    %get3A_14 = arith.constant 2 : index
    %get3A_15 = arith.constant 0 : index
    %get3A_16 = vector.load %arg0[%get3A_13, %get3A_14, %get3A_15] : memref<32x3x1024xf32, #tpu.memory_space<vmem>>, vector<32x1x1024xf32>
    %get3A_17 = vector.shape_cast %get3A_16 : vector<32x1x1024xf32> to vector<32x1024xf32>
    %reduce_sum3A_18 = vector.shape_cast %get3A_17 : vector<32x1024xf32> to vector<1x32x1024xf32>
    %reduce_sum3A_19 = arith.constant dense<0.000000e+00> : vector<1xf32>
    %reduce_sum3A_20 = vector.multi_reduction <add>, %reduce_sum3A_18, %reduce_sum3A_19 [1, 2] : vector<1x32x1024xf32> to vector<1xf32>
    %reduce_sum3A_21 = vector.shape_cast %reduce_sum3A_20 : vector<1xf32> to vector<1x1x1xf32>
    %reduce_sum3A_22 = vector.extract %reduce_sum3A_21[0, 0, 0] : f32 from vector<1x1x1xf32>
    %div3A = vector.broadcast %reduce_sum3A_22 : f32 to vector<1x1024xf32>
    %div3A_23 = arith.divf %broadcast_in_dim3A, %div3A : vector<1x1024xf32>
    %div3A_24 = vector.broadcast %reduce_sum3A_22 : f32 to vector<1x1024xf32>
    %div3A_25 = arith.divf %broadcast_in_dim3A_12, %div3A_24 : vector<1x1024xf32>
    %mul3A = arith.mulf %div3A_23, %div3A_23 : vector<1x1024xf32>
    %sub3A = arith.subf %div3A_25, %mul3A : vector<1x1024xf32>
    %add3A = arith.constant 9.99999974E-6 : f32
    %add3A_26 = vector.broadcast %add3A : f32 to vector<1x1024xf32>
    %add3A_27 = arith.addf %sub3A, %add3A_26 : vector<1x1024xf32>
    %rsqrt3A = math.rsqrt %add3A_27 : vector<1x1024xf32>
    %get3A_28 = arith.constant 0 : index
    %get3A_29 = arith.constant 0 : index
    %get3A_30 = vector.load %arg1[%get3A_28, %get3A_29] : memref<1x1024xf32, #tpu.memory_space<vmem>>, vector<1x1024xf32>
    %mul3A_31 = arith.mulf %get3A_30, %rsqrt3A : vector<1x1024xf32>
    %swap3A = arith.constant 0 : index
    %swap3A_32 = arith.constant 0 : index
    %swap3A_33 = vector.load %arg3[%swap3A, %swap3A_32] : memref<1x1024xf32, #tpu.memory_space<vmem>>, vector<1x1024xf32>
    tpu.vector_store %arg3[%swap3A, %swap3A_32], %mul3A_31 {strides = array<i32>} : memref<1x1024xf32, #tpu.memory_space<vmem>>, vector<1x1024xf32>,
    %get3A_34 = arith.constant 0 : index
    %get3A_35 = arith.constant 0 : index
    %get3A_36 = vector.load %arg2[%get3A_34, %get3A_35] : memref<1x1024xf32, #tpu.memory_space<vmem>>, vector<1x1024xf32>
    %mul3A_37 = arith.mulf %div3A_23, %mul3A_31 : vector<1x1024xf32>
    %sub3A_38 = arith.subf %get3A_36, %mul3A_37 : vector<1x1024xf32>
    %swap3A_39 = arith.constant 0 : index
    %swap3A_40 = arith.constant 0 : index
    %swap3A_41 = vector.load %arg4[%swap3A_39, %swap3A_40] : memref<1x1024xf32, #tpu.memory_space<vmem>>, vector<1x1024xf32>
    tpu.vector_store %arg4[%swap3A_39, %swap3A_40], %sub3A_38 {strides = array<i32>} : memref<1x1024xf32, #tpu.memory_space<vmem>>, vector<1x1024xf32>,
    return
  }
}

</mosaic_0001>

<sc_bundles>
// kernel: kernel.5.cloned.1.call-start
scs
__scs_entry_jumppad:
0x0: {  	(pc) =	sbr.rel $0x88, $3  }
0x1: {  	(tag) =	ssettag $0x0;
	lr =	simm.s32 $0x1  }
0x2: {  	[smem:$0x3F9D] =	sst lr;
	_ =	strace $0xD0000000  }
0x3: {  	_ = 	snop  }
0x4: {  	_ = 	snop  }
0x5: {  	_ = 	snop  }
0x6: {  	_ = 	snop  }
0x7: {  	_ = 	snop  }
__scs_overlays_trampoline_lowered:
0x8: {  	[smem:$0x3FAC] =	sst s0  }
0x9: {  	[smem:$0x3FAD] =	sst s1  }
0xa: {  	[smem:$0x3FAE] =	sst s2  }
0xb: {  	[smem:$0x3FAF] =	sst s3  }
0xc: {  	[smem:$0x3FB0] =	sst s4  }
0xd: {  	[smem:$0x3FB1] =	sst s5  }
0xe: {  	[smem:$0x3FB2] =	sst s6  }
0xf: {  	[smem:$0x3FB3] =	sst s7  }
0x10: {  	[smem:$0x3FB4] =	sst s8  }
0x11: {  	[smem:$0x3FB5] =	sst s9;
	s0 =	simm.s32 @!p0 $0x0  }
0x12: {  	s1 =	sld [smem:$0x3F9B];
	s0 =	simm.s32 @p0 $0x1  }
0x13: {  	[smem:$0x3FB6] =	sst s0;
	s0 =	simm.s32 @!p1 $0x0  }
0x14: {  	s2 =	sld [smem:$0x3F9A];
	s0 =	simm.s32 @p1 $0x1  }
0x15: {  	[smem:$0x3FB7] =	sst s0;
	s0 =	simm.s32 @!p2 $0x0  }
0x16: {  	s3 =	sld [smem:$0x3FDB];
	s0 =	simm.s32 @p2 $0x1  }
0x17: {  	s4 =	simm.s32 $0x1BF5;
	[smem:$0x3FB9] =	sst s0  }
0x18: {  	s0 =	sld [smem:$0x3F9C];
	_ =	swait.ge [sflag:s4], $0x0  }
0x19: {  	s7 =	sld [smem:$0x3F9D]  }
0x1a: {  	s8 =	sadd.s32 $0xFFFFE003, lr  }
0x1b: {  	s9 =	sadd.s32 $0xFFFFFEF7, lr;
	s5 =	simm.s32 $0xFFFFFFFF;
	p2 =	slt.u32 s8, $0xFFFFF086  }
0x1c: {  	p1 =	slt.u32 s9, $0xF7A;
	s5 =	simm.s32 @!p2 $0x0  }
0x1d: {  	s5 =	simm.s32 @p1 $0x1;
	p0 =	seq.s32 s7, s2  }
0x1e: {  	s7 =	smul.u32 @!p0 $0xF7A, s2;
	p2 =	seq.s32 @!p0 s5, $0x0  }
0x1f: {  	s9 =	smul.u32 $0xF7A, s1;
	s8 =	simm.s32 @!p0 $0x1BF5;
	p2 =	por !p2, p0  }
0x20: {  	[sflag:s8] =	ssyncset.s32 @!p0 $0xFFFFF086;
	s6 =	sadd.s32 @!p0 s3, s7;
	s7 =	simm.s32 @!p0 $0x108  }
0x21: {  	s3 =	sadd.s32 s3, s9;
	s6 =	sadd.s32 @!p0 $0x88, s6;
	s7 =	simm.s32 @p2 $0x1082  }
0x22: {  	[simem:s7], [sflag:s8] =	dma.local @!p0 [hbm:s6], $0xF7A  }
0x23: {  	s9 =	sor.u32 $0xD0000000, s2;
	s6 =	simm.s32 $0x108;
	_ =	swait.ge @!p0 [sflag:s8], $0x0  }
0x24: {  	s3 =	sadd.s32 $0x88, s3;
	s6 =	simm.s32 @!p1 $0x1082;
	[sflag:s4] =	ssyncset.s32 $0xFFFFF086  }
0x25: {  	[simem:s6], [sflag:s4] =	dma.local [hbm:s3], $0xF7A  }
0x26: {  	[smem:$0x3F9D] =	sst s1;
	(tag) =	ssettag s2;
	_ =	strace s9  }
0x27: {  	s1 =	sld [smem:$0x3FAD]  }
0x28: {  	s2 =	sld [smem:$0x3FAE]  }
0x29: {  	s4 =	sld [smem:$0x3FB0]  }
0x2a: {  	p0 =	seq.s32 s5, $0x0;
	s5 =	sld [smem:$0x3FB1]  }
0x2b: {  	s6 =	sld [smem:$0x3FB2]  }
0x2c: {  	s7 =	sld [smem:$0x3FB3]  }
0x2d: {  	s3 =	simm.s32 $0x108;
	s8 =	sld [smem:$0x3FB4]  }
0x2e: {  	s3 =	simm.s32 @!p0 $0x1082;
	s9 =	sld [smem:$0x3FB5]  }
0x2f: {  	lr =	sadd.s32 s0, s3;
	s0 =	sld [smem:$0x3FAC]  }
0x30: {  	s3 =	sld [smem:$0x3FAF]  }
0x31: {  	[smem:$0x3FB8] =	sst s10  }
0x32: {  	s10 =	sld [smem:$0x3FB6];
	_ =	sdelay $0x3  }
0x33: {  	p0 =	seq.s32 s10, $0x1;
	s10 =	sld [smem:$0x3FB8];
	_ =	sdelay $0x3  }
0x34: {  	[smem:$0x3FB8] =	sst s10  }
0x35: {  	s10 =	sld [smem:$0x3FB7];
	_ =	sdelay $0x3  }
0x36: {  	p1 =	seq.s32 s10, $0x1;
	s10 =	sld [smem:$0x3FB8];
	_ =	sdelay $0x3  }
0x37: {  	[smem:$0x3FB8] =	sst s10  }
0x38: {  	s10 =	sld [smem:$0x3FB9]  }
0x39: {  	_ = 	snop;
	(pc) =	sbr.ind lr, $3  }
0x3a: {  	_ = 	snop  }
0x3b: {  	_ = 	snop  }
0x3c: {  	p2 =	seq.s32 s10, $0x1;
	s10 =	sld [smem:$0x3FB8]  }
0x3d: {  	_ =	shalt  }
0x3e: {  	_ =	shalt  }
0x3f: {  	_ =	shalt  }
0x40: {  	_ =	shalt  }
0x41: {  	_ =	shalt  }
0x42: {  	_ =	shalt  }
0x43: {  	_ =	shalt  }
0x44: {  	_ =	shalt  }
0x45: {  	_ =	shalt  }
0x46: {  	_ =	shalt  }
0x47: {  	_ =	shalt  }
0x48: {  	_ =	shalt  }
0x49: {  	_ =	shalt  }
0x4a: {  	_ =	shalt  }
0x4b: {  	_ =	shalt  }
0x4c: {  	_ =	shalt  }
0x4d: {  	_ =	shalt  }
0x4e: {  	_ =	shalt  }
0x4f: {  	_ =	shalt  }
0x50: {  	_ =	shalt  }
0x51: {  	_ =	shalt  }
0x52: {  	_ =	shalt  }
0x53: {  	_ =	shalt  }
0x54: {  	_ =	shalt  }
0x55: {  	_ =	shalt  }
0x56: {  	_ =	shalt  }
0x57: {  	_ =	shalt  }
0x58: {  	_ =	shalt  }
0x59: {  	_ =	shalt  }
0x5a: {  	_ =	shalt  }
0x5b: {  	_ =	shalt  }
0x5c: {  	_ =	shalt  }
0x5d: {  	_ =	shalt  }
0x5e: {  	_ =	shalt  }
0x5f: {  	_ =	shalt  }
0x60: {  	_ =	shalt  }
0x61: {  	_ =	shalt  }
0x62: {  	_ =	shalt  }
0x63: {  	_ =	shalt  }
0x64: {  	_ =	shalt  }
0x65: {  	_ =	shalt  }
0x66: {  	_ =	shalt  }
0x67: {  	_ =	shalt  }
0x68: {  	_ =	shalt  }
0x69: {  	_ =	shalt  }
0x6a: {  	_ =	shalt  }
0x6b: {  	_ =	shalt  }
0x6c: {  	_ =	shalt  }
0x6d: {  	_ =	shalt  }
0x6e: {  	_ =	shalt  }
0x6f: {  	_ =	shalt  }
0x70: {  	_ =	shalt  }
0x71: {  	_ =	shalt  }
0x72: {  	_ =	shalt  }
0x73: {  	_ =	shalt  }
0x74: {  	_ =	shalt  }
0x75: {  	_ =	shalt  }
0x76: {  	_ =	shalt  }
0x77: {  	_ =	shalt  }
0x78: {  	_ =	shalt  }
0x79: {  	_ =	shalt  }
0x7a: {  	_ =	shalt  }
0x7b: {  	_ =	shalt  }
0x7c: {  	_ =	shalt  }
0x7d: {  	_ =	shalt  }
0x7e: {  	_ =	shalt  }
0x7f: {  	_ =	shalt  }
0x80: {  	_ =	shalt  }
0x81: {  	_ =	shalt  }
0x82: {  	_ =	shalt  }
0x83: {  	_ =	shalt  }
0x84: {  	_ =	shalt  }
0x85: {  	_ =	shalt  }
0x86: {  	_ =	shalt  }
0x87: {  	_ =	shalt  }
.Lfunc_end0:
.L_simem_size_0:
called_computation_lowered:
.L_overlay_start_0:
0x88: {  	s2 =	sld [smem:$0x3FD9]  }
0x89: {  	s3 =	sld [smem:$0x3FFE];
	_ =	sdelay $0x1  }
0x8a: {  	s1 =	srdreg.scid  }
0x8b: {  	s0 =	sand.u32 $0x1, s1  }
0x8c: {  	s17 =	sshll.u32 s0, $0xA;
	s2 =	sadd.s32 s3, s2  }
0x8d: {  	s2 =	sadd.s32 s2, s17  }
0x8e: {  	[smem:$0x3FC4] =	sst s2  }
0x8f: {  	_ = 	snop  }
0x90: {  	s2 =	sld [smem:$0x3FC9]  }
0x91: {  	s18 =	sld [smem:$0x3FD0];
	(tm) =	ssettm $0x1  }
0x92: {  	s4 =	sld [smem:$0x3FFB];
	_ =	sdelay $0x3  }
0x93: {  	_ =	strace s4  }
0x94: {  	s4 =	sld [smem:$0x3FFC];
	_ =	sdelay $0x3  }
0x95: {  	_ =	strace s4  }
0x96: {  	s4 =	sld [smem:$0x3FFD];
	_ =	sdelay $0x3  }
0x97: {  	_ =	strace s4  }
0x98: {  	_ =	strace $0x8FFFFFFF  }
0x99: {  	s19 =	sld [smem:$0x3FDB];
	_ =	sdelay $0x1  }
0x9a: {  	s5 =	simm.s32 $_scs_section_size  }
0x9b: {  	s6 =	simm.s32 $_size__tile_overlayer_lowered;
	s7 =	simm.s32 $_tile_overlayer_lowered  }
0x9c: {  	s22 =	simm.s32 $0x1BFF;
	s21 =	sshll.u32 s7, $0x1;
	s4 =	sadd.s32 s5, s19  }
0x9d: {  	s8 =	simm.s32 $0x0;
	s20 =	sshll.u32 s6, $0x1;
	s6 =	sadd.s32 s21, s4  }
0x9e: {  	[timem:s8], [sflag:s22] =	dma.local [hbm:s6], s20  }
0x9f: {  	_ =	swait.ge [sflag:s22], s20  }
0xa0: {  	s5 =	ssub.s32 $0x0, s20;
	[sflag:s22] =	ssyncset.done $0x0  }
0xa1: {  	[sflag:s22] =	ssyncadd.s32 s5;
	_ =	sdelay $0x1  }
0xa2: {  	s23 =	simm.s32 $0x1B8B  }
0xa3: {  	_ =	swait.ge [sflag:s23], $0x1  }
0xa4: {  	[sflag:s23] =	ssyncset.done $0x0  }
0xa5: {  	s25 =	simm.s32 $0x1B8E;
	s24 =	sld [smem:$0x3FFE];
	[sflag:s23] =	ssyncadd.s32 $0xFFFFFFFF  }
0xa6: {  	s26 =	simm.s32 $execute0_lowered;
	[smem:$0x3FD2] =	sst s25  }
0xa7: {  	s6 =	sshll.u32 s26, $0x1;
	_ =	strace $0x80000046;
	[dreg:$0x1] =	wrdreg $0xFFFFFFFF  }
0xa8: {  	s28 =	simm.s32 $_size_execute0_lowered;
	s4 =	sadd.s32 s4, s6;
	[dreg:$0x0] =	wrdreg $0x0  }
0xa9: {  	s6 =	sshll.u32 s28, $0x1;
	[dreg:$0x2] =	wrdreg s4  }
0xaa: {  	[dreg:$0x3] =	wrdreg s6  }
0xab: {  	[dreg:$0x4] =	wrdreg $0xC0  }
0xac: {  	_ =	task [dreg:s8], $0x5FFFF  }
0xad: {  	[dreg:$0x1] =	wrdreg $0xFFFFFFFF  }
0xae: {  	[dreg:$0x0] =	wrdreg $0x60  }
0xaf: {  	[dreg:$0x2] =	wrdreg s2  }
0xb0: {  	[dreg:$0x3] =	wrdreg s24  }
0xb1: {  	[dreg:$0x4] =	wrdreg s18  }
0xb2: {  	[dreg:$0x5] =	wrdreg $0x9  }
0xb3: {  	_ =	task.clear_ibuf [dreg:s8], $0x6FFFF;
	_ =	strace $0x90000046  }
0xb4: {  	s29 =	simm.s32 $0x9;
	_ =	strace $0x80000048  }
0xb5: {  	_ =	swait.ge [sflag:s29], $0x1  }
0xb6: {  	[sflag:s29] =	ssyncadd.s32 $0xFFFFFFFF  }
0xb7: {  	_ =	strace $0x90000048  }
0xb8: {  	_ =	sfence  }
0xb9: {  	s30 =	sld [smem:$0x0];
	_ =	sdelay $0x2  }
0xba: {  	s31 =	sshll.u32 s1, $0xD;
	s1 =	sshrl.u32 s1, $0x2  }
0xbb: {  	s3 =	sand.u32 $0x4000, s31;
	s1 =	sadd.s32 s1, s30  }
0xbc: {  	s0 =	sor.u32 s3, s0;
	s1 =	sshll.u32 s1, $0x11  }
0xbd: {  	s0 =	sor.u32 s1, s0  }
0xbe: {  	s0 =	sadd.s32 $0x8F2B, s0  }
0xbf: {  	[sflag:s0] =	ssyncadd.remote.s32 $0x1  }
0xc0: {  	_ =	sfence.sel $0xFFFF  }
0xc1: {  	[dreg:$0x0] =	wrdreg $0xFFFFFFFF;
	(pc) =	sbr.abs _section_cstart, $3  }
0xc2: {  	[dreg:$0x1] =	wrdreg $0xFFFFFFFF  }
0xc3: {  	_ =	task.clear_ibuf [dreg:s8], $0x2FFFF;
	_ =	strace $0x9FFFFFFF  }
0xc4: {  	(tm) =	ssettm $0x7FFFFFFF  }
0xc5: {  	_ =	shalt  }
tec
execute0_lowered:
.L_overlay_start_1:
0x0: {  	(tag) =	ssettag $0x1  }
0x1: {  	s8 =	rddreg [dreg:$0x0]  }
0x2: {  	s3 =	rddreg [dreg:$0x1]  }
0x3: {  	s5 =	rddreg [dreg:$0x2]  }
0x4: {  	s0 =	rddreg [dreg:$0x3]  }
0x5: {  	s4 =	srdreg.scid;
	s1 =	stileid.u32  }
0x6: {  	s2 =	simm.s32 $0x0;
	s11 =	simm.s32 $0x10500;
	s12 =	simm.s32 $0x8000  }
0x7: {  	s13 =	simm.s32 $0x1;
	s14 =	simm.s32 $0x2;
	s15 =	simm.s32 $0x10400  }
0x8: {  	s16 =	simm.s32 $0x0;
	s9 =	sand.u32 $0x1, s4;
	s26 =	sshll.u32 s1, $0x1  }
0x9: {  	[smem:$0x7FF] =	sst s2;
	s31 =	sshll.u32 s1, $0x12;
	s6 =	sor.u32 s9, s26  }
0xa: {  	s28 =	ssub.s32 $0x2, s9;
	_ =	strace $0x80000047;
	s9 =	sshll.u32 s9, $0x11  }
0xb: {  	s7 =	sshll.u32 s6, $0x7;
	s10 =	sshrl.u32 s28, $0x1;
	s30 =	sshll.u32 s6, $0x11  }
0xc: {  	s6 =	sshll.u32 s6, $0x9;
	s3 =	sadd.s32 s7, s3;
	s29 =	ssub.s32 s28, s10  }
0xd: {  	s4 =	sadd.s32 s8, s30;
	s5 =	sadd.s32 s5, s6;
	s8 =	sadd.s32 s31, s8  }
0xe: {  	s10 =	simm.s32 $0x3;
	s3 =	sadd.s32 $0x1400, s3;
	s6 =	smax.u32 s29, $0x1  }
0xf: {  	v0 =	vimm.f32 $0.0e+00;
	s7 =	sadd.s32 $0x1F000, s4;
	s8 =	sadd.s32 s9, s8;
	s9 =	simm.s32 $0x10000  }
.LBB2_1:
0x10: {  	[tilespmem:s9], [sflag:$0x3] =	stream.linear.gather [hbm4b:s3+s2], $0x400, $0x38;
	[tilespmem:$0x11400] =	vst v63  }
0x11: {  	_ =	swait.ge [sflag:s10], $0x400  }
0x12: {  	[sflag:s10] =	ssyncset.done $0x0  }
0x13: {  	s17 =	simm.s32 $0x104C0;
	[sflag:s10] =	ssyncadd.s32 $0xFFFFFC00  }
0x14: {  	[tilespmem:s17+$0xFFFFFF40] =	vst v0  }
0x15: {  	[tilespmem:s17+$0xB0] =	vst v0  }
0x16: {  	[tilespmem:s17+$0x30] =	vst v0  }
0x17: {  	[tilespmem:s17+$0xFFFFFFB0] =	vst v0  }
0x18: {  	[tilespmem:s17+$0xA0] =	vst v0  }
0x19: {  	[tilespmem:s17+$0x20] =	vst v0  }
0x1a: {  	[tilespmem:s17+$0xFFFFFFA0] =	vst v0  }
0x1b: {  	[tilespmem:s17+$0x90] =	vst v0  }
0x1c: {  	[tilespmem:s17+$0x10] =	vst v0  }
0x1d: {  	[tilespmem:s17+$0xFFFFFF90] =	vst v0  }
0x1e: {  	[tilespmem:s17+$0x80] =	vst v0  }
0x1f: {  	[tilespmem:s17+$0x0] =	vst v0  }
0x20: {  	[tilespmem:s17+$0xFFFFFF80] =	vst v0  }
0x21: {  	[tilespmem:s17+$0x70] =	vst v0  }
0x22: {  	[tilespmem:s17+$0xFFFFFFF0] =	vst v0  }
0x23: {  	[tilespmem:s17+$0xFFFFFF70] =	vst v0  }
0x24: {  	[tilespmem:s17+$0x60] =	vst v0  }
0x25: {  	[tilespmem:s17+$0xFFFFFFE0] =	vst v0  }
0x26: {  	[tilespmem:s17+$0xFFFFFF60] =	vst v0  }
0x27: {  	[tilespmem:s17+$0x50] =	vst v0  }
0x28: {  	[tilespmem:s17+$0xFFFFFFD0] =	vst v0  }
0x29: {  	[tilespmem:s17+$0xFFFFFF50] =	vst v0  }
0x2a: {  	s18 =	simm.s32 $0x0;
	[tilespmem:s17+$0x40] =	vst v0  }
.LBB2_2:
0x2b: {  	s18 =	sadd.s32 $0x8, s18;
	[tilespmem:s17+$0xFFFFFFC0] =	vst v0;
	s17 =	sadd.s32 $0x200, s17  }
0x2c: {  	[tilespmem:s17+$0xFFFFFF40] =	vst v0;
	p0 =	slt.u32 s18, $0x38  }
0x2d: {  	[tilespmem:s17+$0xB0] =	vst v0  }
0x2e: {  	[tilespmem:s17+$0x30] =	vst v0  }
0x2f: {  	[tilespmem:s17+$0xFFFFFFB0] =	vst v0  }
0x30: {  	[tilespmem:s17+$0xA0] =	vst v0  }
0x31: {  	[tilespmem:s17+$0x20] =	vst v0  }
0x32: {  	[tilespmem:s17+$0xFFFFFFA0] =	vst v0  }
0x33: {  	[tilespmem:s17+$0x90] =	vst v0  }
0x34: {  	[tilespmem:s17+$0x10] =	vst v0  }
0x35: {  	[tilespmem:s17+$0xFFFFFF90] =	vst v0  }
0x36: {  	[tilespmem:s17+$0x80] =	vst v0  }
0x37: {  	[tilespmem:s17+$0x0] =	vst v0  }
0x38: {  	[tilespmem:s17+$0xFFFFFF80] =	vst v0  }
0x39: {  	[tilespmem:s17+$0x70] =	vst v0  }
0x3a: {  	[tilespmem:s17+$0xFFFFFFF0] =	vst v0  }
0x3b: {  	[tilespmem:s17+$0xFFFFFF70] =	vst v0  }
0x3c: {  	[tilespmem:s17+$0x60] =	vst v0  }
0x3d: {  	[tilespmem:s17+$0xFFFFFFE0] =	vst v0  }
.Ltmp0:
0x3e: {  	[tilespmem:s17+$0xFFFFFF60] =	vst v0;
	(pc) =	sbr.rel @p0 .LBB2_2-.Ltmp0, $4  }
0x3f: {  	[tilespmem:s17+$0x50] =	vst v0  }
0x40: {  	[tilespmem:s17+$0xFFFFFFD0] =	vst v0  }
0x41: {  	[tilespmem:s17+$0xFFFFFF50] =	vst v0  }
0x42: {  	[tilespmem:s17+$0x40] =	vst v0  }
0x43: {  	[tilespmem:s17+$0xFFFFFFC0] =	vst v0  }
0x44: {  	v1 =	vld [tilespmem:$0x10000];
	_ =	sdelay $0x4  }
0x45: {  	[tilespmem:s11+$0x0] =	vst.add.f32.msk $0xffff, v1  }
0x46: {  	v1 =	vld [tilespmem:$0x10010];
	_ =	sdelay $0x4  }
0x47: {  	[tilespmem:s11+$0x0] =	vst.add.f32.msk $0xffff, v1  }
0x48: {  	v1 =	vld [tilespmem:$0x10020];
	_ =	sdelay $0x4  }
0x49: {  	[tilespmem:s11+$0x0] =	vst.add.f32.msk $0xffff, v1  }
0x4a: {  	v1 =	vld [tilespmem:$0x10030];
	_ =	sdelay $0x4  }
0x4b: {  	[tilespmem:s11+$0x0] =	vst.add.f32.msk $0xffff, v1  }
0x4c: {  	v1 =	vld [tilespmem:$0x10040];
	_ =	sdelay $0x4  }
0x4d: {  	[tilespmem:s11+$0x0] =	vst.add.f32.msk $0xffff, v1  }
0x4e: {  	v1 =	vld [tilespmem:$0x10050];
	_ =	sdelay $0x4  }
0x4f: {  	[tilespmem:s11+$0x0] =	vst.add.f32.msk $0xffff, v1  }
0x50: {  	v1 =	vld [tilespmem:$0x10060];
	_ =	sdelay $0x4  }
0x51: {  	[tilespmem:s11+$0x0] =	vst.add.f32.msk $0xffff, v1  }
0x52: {  	v1 =	vld [tilespmem:$0x10070];
	_ =	sdelay $0x4  }
0x53: {  	[tilespmem:s11+$0x0] =	vst.add.f32.msk $0xffff, v1  }
0x54: {  	v1 =	vld [tilespmem:$0x10080];
	_ =	sdelay $0x4  }
0x55: {  	[tilespmem:s11+$0x0] =	vst.add.f32.msk $0xffff, v1  }
0x56: {  	v1 =	vld [tilespmem:$0x10090];
	_ =	sdelay $0x4  }
0x57: {  	[tilespmem:s11+$0x0] =	vst.add.f32.msk $0xffff, v1  }
0x58: {  	v1 =	vld [tilespmem:$0x100A0];
	_ =	sdelay $0x4  }
0x59: {  	[tilespmem:s11+$0x0] =	vst.add.f32.msk $0xffff, v1  }
0x5a: {  	v1 =	vld [tilespmem:$0x100B0];
	_ =	sdelay $0x4  }
0x5b: {  	[tilespmem:s11+$0x0] =	vst.add.f32.msk $0xffff, v1  }
0x5c: {  	v1 =	vld [tilespmem:$0x100C0];
	_ =	sdelay $0x4  }
0x5d: {  	[tilespmem:s11+$0x0] =	vst.add.f32.msk $0xffff, v1  }
0x5e: {  	v1 =	vld [tilespmem:$0x100D0];
	_ =	sdelay $0x4  }
0x5f: {  	[tilespmem:s11+$0x0] =	vst.add.f32.msk $0xffff, v1  }
0x60: {  	v1 =	vld [tilespmem:$0x100E0];
	_ =	sdelay $0x4  }
0x61: {  	[tilespmem:s11+$0x0] =	vst.add.f32.msk $0xffff, v1  }
0x62: {  	v1 =	vld [tilespmem:$0x100F0];
	_ =	sdelay $0x4  }
0x63: {  	[tilespmem:s11+$0x0] =	vst.add.f32.msk $0xffff, v1  }
0x64: {  	v1 =	vld [tilespmem:$0x10100];
	_ =	sdelay $0x4  }
0x65: {  	[tilespmem:s11+$0x0] =	vst.add.f32.msk $0xffff, v1  }
0x66: {  	v1 =	vld [tilespmem:$0x10110];
	_ =	sdelay $0x4  }
0x67: {  	[tilespmem:s11+$0x0] =	vst.add.f32.msk $0xffff, v1  }
0x68: {  	v1 =	vld [tilespmem:$0x10120];
	_ =	sdelay $0x4  }
0x69: {  	[tilespmem:s11+$0x0] =	vst.add.f32.msk $0xffff, v1  }
0x6a: {  	v1 =	vld [tilespmem:$0x10130];
	_ =	sdelay $0x4  }
0x6b: {  	[tilespmem:s11+$0x0] =	vst.add.f32.msk $0xffff, v1  }
0x6c: {  	v1 =	vld [tilespmem:$0x10140];
	_ =	sdelay $0x4  }
0x6d: {  	[tilespmem:s11+$0x0] =	vst.add.f32.msk $0xffff, v1  }
0x6e: {  	v1 =	vld [tilespmem:$0x10150];
	_ =	sdelay $0x4  }
0x6f: {  	[tilespmem:s11+$0x0] =	vst.add.f32.msk $0xffff, v1  }
0x70: {  	v1 =	vld [tilespmem:$0x10160];
	_ =	sdelay $0x4  }
0x71: {  	[tilespmem:s11+$0x0] =	vst.add.f32.msk $0xffff, v1  }
0x72: {  	v1 =	vld [tilespmem:$0x10170];
	_ =	sdelay $0x4  }
0x73: {  	[tilespmem:s11+$0x0] =	vst.add.f32.msk $0xffff, v1  }
0x74: {  	v1 =	vld [tilespmem:$0x10180];
	_ =	sdelay $0x4  }
0x75: {  	[tilespmem:s11+$0x0] =	vst.add.f32.msk $0xffff, v1  }
0x76: {  	v1 =	vld [tilespmem:$0x10190];
	_ =	sdelay $0x4  }
0x77: {  	[tilespmem:s11+$0x0] =	vst.add.f32.msk $0xffff, v1  }
0x78: {  	v1 =	vld [tilespmem:$0x101A0];
	_ =	sdelay $0x4  }
0x79: {  	[tilespmem:s11+$0x0] =	vst.add.f32.msk $0xffff, v1  }
0x7a: {  	v1 =	vld [tilespmem:$0x101B0];
	_ =	sdelay $0x4  }
0x7b: {  	[tilespmem:s11+$0x0] =	vst.add.f32.msk $0xffff, v1  }
0x7c: {  	v1 =	vld [tilespmem:$0x101C0];
	_ =	sdelay $0x4  }
0x7d: {  	[tilespmem:s11+$0x0] =	vst.add.f32.msk $0xffff, v1  }
0x7e: {  	v1 =	vld [tilespmem:$0x101D0];
	_ =	sdelay $0x4  }
0x7f: {  	[tilespmem:s11+$0x0] =	vst.add.f32.msk $0xffff, v1  }
0x80: {  	v1 =	vld [tilespmem:$0x101E0];
	_ =	sdelay $0x4  }
0x81: {  	[tilespmem:s11+$0x0] =	vst.add.f32.msk $0xffff, v1  }
0x82: {  	v1 =	vld [tilespmem:$0x101F0];
	_ =	sdelay $0x4  }
0x83: {  	[tilespmem:s11+$0x0] =	vst.add.f32.msk $0xffff, v1  }
0x84: {  	v1 =	vld [tilespmem:$0x10200];
	_ =	sdelay $0x4  }
0x85: {  	[tilespmem:s11+$0x0] =	vst.add.f32.msk $0xffff, v1  }
0x86: {  	v1 =	vld [tilespmem:$0x10210];
	_ =	sdelay $0x4  }
0x87: {  	[tilespmem:s11+$0x0] =	vst.add.f32.msk $0xffff, v1  }
0x88: {  	v1 =	vld [tilespmem:$0x10220];
	_ =	sdelay $0x4  }
0x89: {  	[tilespmem:s11+$0x0] =	vst.add.f32.msk $0xffff, v1  }
0x8a: {  	v1 =	vld [tilespmem:$0x10230];
	_ =	sdelay $0x4  }
0x8b: {  	[tilespmem:s11+$0x0] =	vst.add.f32.msk $0xffff, v1  }
0x8c: {  	v1 =	vld [tilespmem:$0x10240];
	_ =	sdelay $0x4  }
0x8d: {  	[tilespmem:s11+$0x0] =	vst.add.f32.msk $0xffff, v1  }
0x8e: {  	v1 =	vld [tilespmem:$0x10250];
	_ =	sdelay $0x4  }
0x8f: {  	[tilespmem:s11+$0x0] =	vst.add.f32.msk $0xffff, v1  }
0x90: {  	v1 =	vld [tilespmem:$0x10260];
	_ =	sdelay $0x4  }
0x91: {  	[tilespmem:s11+$0x0] =	vst.add.f32.msk $0xffff, v1  }
0x92: {  	v1 =	vld [tilespmem:$0x10270];
	_ =	sdelay $0x4  }
0x93: {  	[tilespmem:s11+$0x0] =	vst.add.f32.msk $0xffff, v1  }
0x94: {  	v1 =	vld [tilespmem:$0x10280];
	_ =	sdelay $0x4  }
0x95: {  	[tilespmem:s11+$0x0] =	vst.add.f32.msk $0xffff, v1  }
0x96: {  	v1 =	vld [tilespmem:$0x10290];
	_ =	sdelay $0x4  }
0x97: {  	[tilespmem:s11+$0x0] =	vst.add.f32.msk $0xffff, v1  }
0x98: {  	v1 =	vld [tilespmem:$0x102A0];
	_ =	sdelay $0x4  }
0x99: {  	[tilespmem:s11+$0x0] =	vst.add.f32.msk $0xffff, v1  }
0x9a: {  	v1 =	vld [tilespmem:$0x102B0];
	_ =	sdelay $0x4  }
0x9b: {  	[tilespmem:s11+$0x0] =	vst.add.f32.msk $0xffff, v1  }
0x9c: {  	v1 =	vld [tilespmem:$0x102C0];
	_ =	sdelay $0x4  }
0x9d: {  	[tilespmem:s11+$0x0] =	vst.add.f32.msk $0xffff, v1  }
0x9e: {  	v1 =	vld [tilespmem:$0x102D0];
	_ =	sdelay $0x4  }
0x9f: {  	[tilespmem:s11+$0x0] =	vst.add.f32.msk $0xffff, v1  }
0xa0: {  	v1 =	vld [tilespmem:$0x102E0];
	_ =	sdelay $0x4  }
0xa1: {  	[tilespmem:s11+$0x0] =	vst.add.f32.msk $0xffff, v1  }
0xa2: {  	v1 =	vld [tilespmem:$0x102F0];
	_ =	sdelay $0x4  }
0xa3: {  	[tilespmem:s11+$0x0] =	vst.add.f32.msk $0xffff, v1  }
0xa4: {  	v1 =	vld [tilespmem:$0x10300];
	_ =	sdelay $0x4  }
0xa5: {  	[tilespmem:s11+$0x0] =	vst.add.f32.msk $0xffff, v1  }
0xa6: {  	v1 =	vld [tilespmem:$0x10310];
	_ =	sdelay $0x4  }
0xa7: {  	[tilespmem:s11+$0x0] =	vst.add.f32.msk $0xffff, v1  }
0xa8: {  	v1 =	vld [tilespmem:$0x10320];
	_ =	sdelay $0x4  }
0xa9: {  	[tilespmem:s11+$0x0] =	vst.add.f32.msk $0xffff, v1  }
0xaa: {  	v1 =	vld [tilespmem:$0x10330];
	_ =	sdelay $0x4  }
0xab: {  	[tilespmem:s11+$0x0] =	vst.add.f32.msk $0xffff, v1  }
0xac: {  	v1 =	vld [tilespmem:$0x10340];
	_ =	sdelay $0x4  }
0xad: {  	[tilespmem:s11+$0x0] =	vst.add.f32.msk $0xffff, v1  }
0xae: {  	v1 =	vld [tilespmem:$0x10350];
	_ =	sdelay $0x4  }
0xaf: {  	[tilespmem:s11+$0x0] =	vst.add.f32.msk $0xffff, v1  }
0xb0: {  	v1 =	vld [tilespmem:$0x10360];
	_ =	sdelay $0x4  }
0xb1: {  	[tilespmem:s11+$0x0] =	vst.add.f32.msk $0xffff, v1  }
0xb2: {  	v1 =	vld [tilespmem:$0x10370];
	_ =	sdelay $0x4  }
0xb3: {  	[tilespmem:s11+$0x0] =	vst.add.f32.msk $0xffff, v1  }
0xb4: {  	v1 =	vld [tilespmem:$0x10380];
	_ =	sdelay $0x4  }
0xb5: {  	[tilespmem:s11+$0x0] =	vst.add.f32.msk $0xffff, v1  }
0xb6: {  	v1 =	vld [tilespmem:$0x10390];
	_ =	sdelay $0x4  }
0xb7: {  	[tilespmem:s11+$0x0] =	vst.add.f32.msk $0xffff, v1  }
0xb8: {  	v1 =	vld [tilespmem:$0x103A0];
	_ =	sdelay $0x4  }
0xb9: {  	[tilespmem:s11+$0x0] =	vst.add.f32.msk $0xffff, v1  }
0xba: {  	v1 =	vld [tilespmem:$0x103B0];
	_ =	sdelay $0x4  }
0xbb: {  	[tilespmem:s11+$0x0] =	vst.add.f32.msk $0xffff, v1  }
0xbc: {  	v1 =	vld [tilespmem:$0x103C0];
	_ =	sdelay $0x4  }
0xbd: {  	[tilespmem:s11+$0x0] =	vst.add.f32.msk $0xffff, v1  }
0xbe: {  	v1 =	vld [tilespmem:$0x103D0];
	_ =	sdelay $0x4  }
0xbf: {  	[tilespmem:s11+$0x0] =	vst.add.f32.msk $0xffff, v1  }
0xc0: {  	v1 =	vld [tilespmem:$0x103E0];
	_ =	sdelay $0x4  }
0xc1: {  	[tilespmem:s11+$0x0] =	vst.add.f32.msk $0xffff, v1  }
0xc2: {  	v1 =	vld [tilespmem:$0x103F0];
	_ =	sdelay $0x4  }
0xc3: {  	s31 =	sadd.s32 $0xFFFE2000, s8;
	[tilespmem:s11+$0x0] =	vst.add.f32.msk $0xffff, v1  }
0xc4: {  	[tilespmem:s2], [sflag:$0x1] =	stream.linear.gather [hbm4b:s4+s2], $0x8000, $0x38;
	[tilespmem:$0x11400] =	vst v63  }
0xc5: {  	s18 =	sadd.s32 $0x1F000, s31  }
0xc6: {  	[tilespmem:s12], [sflag:$0x2] =	stream.linear.gather [hbm4b:s18+s2], $0x8000, $0x38;
	[tilespmem:$0x11400] =	vst v63  }
0xc7: {  	_ =	swait.ge [sflag:s13], $0x8000  }
0xc8: {  	[sflag:s13] =	ssyncset.done $0x0  }
0xc9: {  	s17 =	sadd.s32 $0x20000, s31;
	[sflag:s13] =	ssyncadd.s32 $0xFFFF8000  }
0xca: {  	[tilespmem:s2], [sflag:$0x1] =	stream.linear.gather [hbm4b:s17+s2], $0x8000, $0x38;
	[tilespmem:$0x11400] =	vst v63  }
0xcb: {  	_ =	swait.ge [sflag:s14], $0x8000  }
0xcc: {  	s18 =	simm.s32 $0xFFFE6000;
	s17 =	sadd.s32 $0xFFFE4000, s8;
	[sflag:s14] =	ssyncset.done $0x0  }
.LBB2_4:
0xcd: {  	s19 =	sadd.s32 $0x1F000, s17  }
0xce: {  	[sflag:s14] =	ssyncadd.s32 $0xFFFF8000;
	s20 =	smov.u32 s18;
	s21 =	sadd.s32 $0x2000, s18  }
0xcf: {  	[tilespmem:s12], [sflag:$0x2] =	stream.linear.gather [hbm4b:s19+s2], $0x8000, $0x38;
	[tilespmem:$0x11400] =	vst v63  }
0xd0: {  	p0 =	sne.s32 s18, $0xFFFFE000;
	_ =	swait.ge [sflag:s13], $0x8000  }
.Ltmp1:
0xd1: {  	[sflag:s13] =	ssyncset.done $0x0;
	(pc) =	sbr.rel @p0 .LBB2_4-.Ltmp1, $4  }
0xd2: {  	s17 =	sadd.s32 $0x20000, s17;
	[sflag:s13] =	ssyncadd.s32 $0xFFFF8000  }
0xd3: {  	[tilespmem:s2], [sflag:$0x1] =	stream.linear.gather [hbm4b:s17+s2], $0x8000, $0x38;
	[tilespmem:$0x11400] =	vst v63  }
0xd4: {  	_ =	swait.ge [sflag:s14], $0x8000  }
0xd5: {  	s18 =	smov.u32 s21;
	s17 =	sadd.s32 s20, s8;
	[sflag:s14] =	ssyncset.done $0x0  }
0xd6: {  	s18 =	sadd.s32 $0x1F000, s17;
	[sflag:s14] =	ssyncadd.s32 $0xFFFF8000  }
0xd7: {  	[tilespmem:s12], [sflag:$0x2] =	stream.linear.gather [hbm4b:s18+s2], $0x8000, $0x38;
	[tilespmem:$0x11400] =	vst v63  }
0xd8: {  	_ =	swait.ge [sflag:s13], $0x8000  }
0xd9: {  	[sflag:s13] =	ssyncset.done $0x0  }
0xda: {  	s31 =	sadd.s32 $0x20000, s17;
	[sflag:s13] =	ssyncadd.s32 $0xFFFF8000  }
0xdb: {  	[tilespmem:s2], [sflag:$0x1] =	stream.linear.gather [hbm4b:s31+s2], $0x8000, $0x38;
	[tilespmem:$0x11400] =	vst v63  }
0xdc: {  	_ =	swait.ge [sflag:s14], $0x8000  }
0xdd: {  	[sflag:s14] =	ssyncset.done $0x0  }
0xde: {  	[sflag:s14] =	ssyncadd.s32 $0xFFFF8000  }
0xdf: {  	[tilespmem:s12], [sflag:$0x2] =	stream.linear.gather [hbm4b:s7+s2], $0x8000, $0x38;
	[tilespmem:$0x11400] =	vst v63  }
0xe0: {  	_ =	swait.ge [sflag:s13], $0x8000  }
0xe1: {  	[sflag:s13] =	ssyncset.done $0x0  }
0xe2: {  	[sflag:s13] =	ssyncadd.s32 $0xFFFF8000  }
0xe3: {  	s16 =	sadd.s32 $0x1, s16;
	_ =	swait.ge [sflag:s14], $0x8000  }
0xe4: {  	p0 =	sne.s32 s16, s6;
	[sflag:s14] =	ssyncset.done $0x0  }
.Ltmp2:
0xe5: {  	[sflag:s14] =	ssyncadd.s32 $0xFFFF8000;
	(pc) =	sbr.rel @p0 .LBB2_1-.Ltmp2, $4  }
0xe6: {  	[hbm4b:s5+s2] =	stream.linear.scatter [tilespmem:s15], [sflag:$0x3], $0x1000, $0x38;
	[tilespmem:$0x11400] =	vst v63  }
0xe7: {  	_ =	swait.ge [sflag:s10], $0x1000  }
0xe8: {  	[sflag:s10] =	ssyncset.done $0x0  }
0xe9: {  	[sflag:s10] =	ssyncadd.s32 $0xFFFFF000  }
0xea: {  	_ =	sfence.sel $0x180000  }
0xeb: {  	[bflag:$0x0] =	sbarrier.arrive $0xFFFF  }
0xec: {  	p0 =	sne.s32 s1, $0x0;
	_ =	strace $0x90000047  }
0xed: {  	s0 =	sadd.s32 @!p0 $0x100000, s0;
	[bflag:$0x2] =	sbarrier.arrive $0xFFFF  }
0xee: {  	[sflag:s0] =	ssyncadd.tile.s32 @!p0 $0x1;
	_ =	shalt  }
.Lfunc_end2:
_tile_overlayer_lowered:
.L_overlay_start_2:
0xef: {  	(tag) =	ssettag $0x2  }
0xf0: {  	s0 =	rddreg [dreg:$0x0];
	s2 =	stileid.u32  }
0xf1: {  	s1 =	rddreg [dreg:$0x1];
	p0 =	sne.s32 s2, $0x0  }
0xf2: {  	s3 =	rddreg [dreg:$0x2];
	[bflag:$0x3] =	sbarrier.arrive $0xFFFF;
	s2 =	simm.s32 @!p0 $0x1C03  }
0xf3: {  	[timem:s3], [sflag:s2] =	dma.local @!p0 [hbm:s0], s1  }
0xf4: {  	s0 =	simm.s32 @!p0 $0x3  }
0xf5: {  	_ =	swait.ge @!p0 [sflag:s0], s1  }
0xf6: {  	s1 =	ssub.s32 @!p0 $0x0, s1;
	[sflag:s0] =	ssyncset.done @!p0 $0x0  }
0xf7: {  	[sflag:s0] =	ssyncadd.s32 @!p0 s1  }
0xf8: {  	[bflag:$0x3] =	sbarrier.arrive $0xFFFF  }
0xf9: {  	_ =	shalt  }

// kernel: kernel.8.cloned.1.call-start
scs
__scs_entry_jumppad:
0x0: {  	(pc) =	sbr.rel $0x88, $3  }
0x1: {  	(tag) =	ssettag $0x0;
	lr =	simm.s32 $0x1  }
0x2: {  	[smem:$0x3F9D] =	sst lr;
	_ =	strace $0xD0000000  }
0x3: {  	_ = 	snop  }
0x4: {  	_ = 	snop  }
0x5: {  	_ = 	snop  }
0x6: {  	_ = 	snop  }
0x7: {  	_ = 	snop  }
__scs_overlays_trampoline_lowered:
0x8: {  	[smem:$0x3FAC] =	sst s0  }
0x9: {  	[smem:$0x3FAD] =	sst s1  }
0xa: {  	[smem:$0x3FAE] =	sst s2  }
0xb: {  	[smem:$0x3FAF] =	sst s3  }
0xc: {  	[smem:$0x3FB0] =	sst s4  }
0xd: {  	[smem:$0x3FB1] =	sst s5  }
0xe: {  	[smem:$0x3FB2] =	sst s6  }
0xf: {  	[smem:$0x3FB3] =	sst s7  }
0x10: {  	[smem:$0x3FB4] =	sst s8  }
0x11: {  	[smem:$0x3FB5] =	sst s9;
	s0 =	simm.s32 @!p0 $0x0  }
0x12: {  	s1 =	sld [smem:$0x3F9B];
	s0 =	simm.s32 @p0 $0x1  }
0x13: {  	[smem:$0x3FB6] =	sst s0;
	s0 =	simm.s32 @!p1 $0x0  }
0x14: {  	s2 =	sld [smem:$0x3F9A];
	s0 =	simm.s32 @p1 $0x1  }
0x15: {  	[smem:$0x3FB7] =	sst s0;
	s0 =	simm.s32 @!p2 $0x0  }
0x16: {  	s3 =	sld [smem:$0x3FDB];
	s0 =	simm.s32 @p2 $0x1  }
0x17: {  	s4 =	simm.s32 $0x1BF5;
	[smem:$0x3FB9] =	sst s0  }
0x18: {  	s0 =	sld [smem:$0x3F9C];
	_ =	swait.ge [sflag:s4], $0x0  }
0x19: {  	s7 =	sld [smem:$0x3F9D]  }
0x1a: {  	s8 =	sadd.s32 $0xFFFFE003, lr  }
0x1b: {  	s9 =	sadd.s32 $0xFFFFFEF7, lr;
	s5 =	simm.s32 $0xFFFFFFFF;
	p2 =	slt.u32 s8, $0xFFFFF086  }
0x1c: {  	p1 =	slt.u32 s9, $0xF7A;
	s5 =	simm.s32 @!p2 $0x0  }
0x1d: {  	s5 =	simm.s32 @p1 $0x1;
	p0 =	seq.s32 s7, s2  }
0x1e: {  	s7 =	smul.u32 @!p0 $0xF7A, s2;
	p2 =	seq.s32 @!p0 s5, $0x0  }
0x1f: {  	s9 =	smul.u32 $0xF7A, s1;
	s8 =	simm.s32 @!p0 $0x1BF5;
	p2 =	por !p2, p0  }
0x20: {  	[sflag:s8] =	ssyncset.s32 @!p0 $0xFFFFF086;
	s6 =	sadd.s32 @!p0 s3, s7;
	s7 =	simm.s32 @!p0 $0x108  }
0x21: {  	s3 =	sadd.s32 s3, s9;
	s6 =	sadd.s32 @!p0 $0x88, s6;
	s7 =	simm.s32 @p2 $0x1082  }
0x22: {  	[simem:s7], [sflag:s8] =	dma.local @!p0 [hbm:s6], $0xF7A  }
0x23: {  	s9 =	sor.u32 $0xD0000000, s2;
	s6 =	simm.s32 $0x108;
	_ =	swait.ge @!p0 [sflag:s8], $0x0  }
0x24: {  	s3 =	sadd.s32 $0x88, s3;
	s6 =	simm.s32 @!p1 $0x1082;
	[sflag:s4] =	ssyncset.s32 $0xFFFFF086  }
0x25: {  	[simem:s6], [sflag:s4] =	dma.local [hbm:s3], $0xF7A  }
0x26: {  	[smem:$0x3F9D] =	sst s1;
	(tag) =	ssettag s2;
	_ =	strace s9  }
0x27: {  	s1 =	sld [smem:$0x3FAD]  }
0x28: {  	s2 =	sld [smem:$0x3FAE]  }
0x29: {  	s4 =	sld [smem:$0x3FB0]  }
0x2a: {  	p0 =	seq.s32 s5, $0x0;
	s5 =	sld [smem:$0x3FB1]  }
0x2b: {  	s6 =	sld [smem:$0x3FB2]  }
0x2c: {  	s7 =	sld [smem:$0x3FB3]  }
0x2d: {  	s3 =	simm.s32 $0x108;
	s8 =	sld [smem:$0x3FB4]  }
0x2e: {  	s3 =	simm.s32 @!p0 $0x1082;
	s9 =	sld [smem:$0x3FB5]  }
0x2f: {  	lr =	sadd.s32 s0, s3;
	s0 =	sld [smem:$0x3FAC]  }
0x30: {  	s3 =	sld [smem:$0x3FAF]  }
0x31: {  	[smem:$0x3FB8] =	sst s10  }
0x32: {  	s10 =	sld [smem:$0x3FB6];
	_ =	sdelay $0x3  }
0x33: {  	p0 =	seq.s32 s10, $0x1;
	s10 =	sld [smem:$0x3FB8];
	_ =	sdelay $0x3  }
0x34: {  	[smem:$0x3FB8] =	sst s10  }
0x35: {  	s10 =	sld [smem:$0x3FB7];
	_ =	sdelay $0x3  }
0x36: {  	p1 =	seq.s32 s10, $0x1;
	s10 =	sld [smem:$0x3FB8];
	_ =	sdelay $0x3  }
0x37: {  	[smem:$0x3FB8] =	sst s10  }
0x38: {  	s10 =	sld [smem:$0x3FB9]  }
0x39: {  	_ = 	snop;
	(pc) =	sbr.ind lr, $3  }
0x3a: {  	_ = 	snop  }
0x3b: {  	_ = 	snop  }
0x3c: {  	p2 =	seq.s32 s10, $0x1;
	s10 =	sld [smem:$0x3FB8]  }
0x3d: {  	_ =	shalt  }
0x3e: {  	_ =	shalt  }
0x3f: {  	_ =	shalt  }
0x40: {  	_ =	shalt  }
0x41: {  	_ =	shalt  }
0x42: {  	_ =	shalt  }
0x43: {  	_ =	shalt  }
0x44: {  	_ =	shalt  }
0x45: {  	_ =	shalt  }
0x46: {  	_ =	shalt  }
0x47: {  	_ =	shalt  }
0x48: {  	_ =	shalt  }
0x49: {  	_ =	shalt  }
0x4a: {  	_ =	shalt  }
0x4b: {  	_ =	shalt  }
0x4c: {  	_ =	shalt  }
0x4d: {  	_ =	shalt  }
0x4e: {  	_ =	shalt  }
0x4f: {  	_ =	shalt  }
0x50: {  	_ =	shalt  }
0x51: {  	_ =	shalt  }
0x52: {  	_ =	shalt  }
0x53: {  	_ =	shalt  }
0x54: {  	_ =	shalt  }
0x55: {  	_ =	shalt  }
0x56: {  	_ =	shalt  }
0x57: {  	_ =	shalt  }
0x58: {  	_ =	shalt  }
0x59: {  	_ =	shalt  }
0x5a: {  	_ =	shalt  }
0x5b: {  	_ =	shalt  }
0x5c: {  	_ =	shalt  }
0x5d: {  	_ =	shalt  }
0x5e: {  	_ =	shalt  }
0x5f: {  	_ =	shalt  }
0x60: {  	_ =	shalt  }
0x61: {  	_ =	shalt  }
0x62: {  	_ =	shalt  }
0x63: {  	_ =	shalt  }
0x64: {  	_ =	shalt  }
0x65: {  	_ =	shalt  }
0x66: {  	_ =	shalt  }
0x67: {  	_ =	shalt  }
0x68: {  	_ =	shalt  }
0x69: {  	_ =	shalt  }
0x6a: {  	_ =	shalt  }
0x6b: {  	_ =	shalt  }
0x6c: {  	_ =	shalt  }
0x6d: {  	_ =	shalt  }
0x6e: {  	_ =	shalt  }
0x6f: {  	_ =	shalt  }
0x70: {  	_ =	shalt  }
0x71: {  	_ =	shalt  }
0x72: {  	_ =	shalt  }
0x73: {  	_ =	shalt  }
0x74: {  	_ =	shalt  }
0x75: {  	_ =	shalt  }
0x76: {  	_ =	shalt  }
0x77: {  	_ =	shalt  }
0x78: {  	_ =	shalt  }
0x79: {  	_ =	shalt  }
0x7a: {  	_ =	shalt  }
0x7b: {  	_ =	shalt  }
0x7c: {  	_ =	shalt  }
0x7d: {  	_ =	shalt  }
0x7e: {  	_ =	shalt  }
0x7f: {  	_ =	shalt  }
0x80: {  	_ =	shalt  }
0x81: {  	_ =	shalt  }
0x82: {  	_ =	shalt  }
0x83: {  	_ =	shalt  }
0x84: {  	_ =	shalt  }
0x85: {  	_ =	shalt  }
0x86: {  	_ =	shalt  }
0x87: {  	_ =	shalt  }
.Lfunc_end0:
.L_simem_size_0:
called_computation.1_lowered:
.L_overlay_start_0:
0x88: {  	s2 =	sld [smem:$0x3FD9]  }
0x89: {  	s3 =	sld [smem:$0x3FFE];
	_ =	sdelay $0x1  }
0x8a: {  	s1 =	srdreg.scid  }
0x8b: {  	s0 =	sand.u32 $0x1, s1  }
0x8c: {  	s17 =	sshll.u32 s0, $0xA;
	s2 =	sadd.s32 s3, s2  }
0x8d: {  	s2 =	sadd.s32 s2, s17  }
0x8e: {  	[smem:$0x3FC4] =	sst s2  }
0x8f: {  	_ = 	snop  }
0x90: {  	s2 =	sld [smem:$0x3FC9]  }
0x91: {  	s18 =	sld [smem:$0x3FD0];
	(tm) =	ssettm $0x1  }
0x92: {  	s4 =	sld [smem:$0x3FFB];
	_ =	sdelay $0x3  }
0x93: {  	_ =	strace s4  }
0x94: {  	s4 =	sld [smem:$0x3FFC];
	_ =	sdelay $0x3  }
0x95: {  	_ =	strace s4  }
0x96: {  	s4 =	sld [smem:$0x3FFD];
	_ =	sdelay $0x3  }
0x97: {  	_ =	strace s4  }
0x98: {  	_ =	strace $0x8FFFFFFF  }
0x99: {  	s19 =	sld [smem:$0x3FDB];
	_ =	sdelay $0x1  }
0x9a: {  	s5 =	simm.s32 $_scs_section_size  }
0x9b: {  	s6 =	simm.s32 $_size__tile_overlayer_lowered;
	s7 =	simm.s32 $_tile_overlayer_lowered  }
0x9c: {  	s22 =	simm.s32 $0x1BFF;
	s21 =	sshll.u32 s7, $0x1;
	s4 =	sadd.s32 s5, s19  }
0x9d: {  	s8 =	simm.s32 $0x0;
	s20 =	sshll.u32 s6, $0x1;
	s6 =	sadd.s32 s21, s4  }
0x9e: {  	[timem:s8], [sflag:s22] =	dma.local [hbm:s6], s20  }
0x9f: {  	_ =	swait.ge [sflag:s22], s20  }
0xa0: {  	s5 =	ssub.s32 $0x0, s20;
	[sflag:s22] =	ssyncset.done $0x0  }
0xa1: {  	[sflag:s22] =	ssyncadd.s32 s5;
	_ =	sdelay $0x1  }
0xa2: {  	s23 =	simm.s32 $0x1B8B  }
0xa3: {  	_ =	swait.ge [sflag:s23], $0x1  }
0xa4: {  	[sflag:s23] =	ssyncset.done $0x0  }
0xa5: {  	s25 =	simm.s32 $0x1B8E;
	s24 =	sld [smem:$0x3FFE];
	[sflag:s23] =	ssyncadd.s32 $0xFFFFFFFF  }
0xa6: {  	s26 =	simm.s32 $execute0_lowered;
	[smem:$0x3FD2] =	sst s25  }
0xa7: {  	s6 =	sshll.u32 s26, $0x1;
	_ =	strace $0x80000049;
	[dreg:$0x1] =	wrdreg $0xFFFFFFFF  }
0xa8: {  	s28 =	simm.s32 $_size_execute0_lowered;
	s4 =	sadd.s32 s4, s6;
	[dreg:$0x0] =	wrdreg $0x0  }
0xa9: {  	s6 =	sshll.u32 s28, $0x1;
	[dreg:$0x2] =	wrdreg s4  }
0xaa: {  	[dreg:$0x3] =	wrdreg s6  }
0xab: {  	[dreg:$0x4] =	wrdreg $0xC0  }
0xac: {  	_ =	task [dreg:s8], $0x5FFFF  }
0xad: {  	[dreg:$0x1] =	wrdreg $0xFFFFFFFF  }
0xae: {  	[dreg:$0x0] =	wrdreg $0x60  }
0xaf: {  	[dreg:$0x2] =	wrdreg s2  }
0xb0: {  	[dreg:$0x3] =	wrdreg s24  }
0xb1: {  	[dreg:$0x4] =	wrdreg s18  }
0xb2: {  	[dreg:$0x5] =	wrdreg $0x9  }
0xb3: {  	_ =	task.clear_ibuf [dreg:s8], $0x6FFFF;
	_ =	strace $0x90000049  }
0xb4: {  	s29 =	simm.s32 $0x9;
	_ =	strace $0x8000004B  }
0xb5: {  	_ =	swait.ge [sflag:s29], $0x1  }
0xb6: {  	[sflag:s29] =	ssyncadd.s32 $0xFFFFFFFF  }
0xb7: {  	_ =	strace $0x9000004B  }
0xb8: {  	_ =	sfence  }
0xb9: {  	s30 =	sld [smem:$0x0];
	_ =	sdelay $0x2  }
0xba: {  	s31 =	sshll.u32 s1, $0xD;
	s1 =	sshrl.u32 s1, $0x2  }
0xbb: {  	s3 =	sand.u32 $0x4000, s31;
	s1 =	sadd.s32 s1, s30  }
0xbc: {  	s0 =	sor.u32 s3, s0;
	s1 =	sshll.u32 s1, $0x11  }
0xbd: {  	s0 =	sor.u32 s1, s0  }
0xbe: {  	s0 =	sadd.s32 $0x8F2B, s0  }
0xbf: {  	[sflag:s0] =	ssyncadd.remote.s32 $0x1  }
0xc0: {  	_ =	sfence.sel $0xFFFF  }
0xc1: {  	[dreg:$0x0] =	wrdreg $0xFFFFFFFF;
	(pc) =	sbr.abs _section_cstart, $3  }
0xc2: {  	[dreg:$0x1] =	wrdreg $0xFFFFFFFF  }
0xc3: {  	_ =	task.clear_ibuf [dreg:s8], $0x2FFFF;
	_ =	strace $0x9FFFFFFF  }
0xc4: {  	(tm) =	ssettm $0x7FFFFFFF  }
0xc5: {  	_ =	shalt  }
tec
execute0_lowered:
.L_overlay_start_1:
0x0: {  	(tag) =	ssettag $0x1  }
0x1: {  	s12 =	rddreg [dreg:$0x0]  }
0x2: {  	s4 =	rddreg [dreg:$0x1]  }
0x3: {  	s13 =	rddreg [dreg:$0x2];
	s2 =	srdreg.scid  }
0x4: {  	s0 =	rddreg [dreg:$0x3];
	s1 =	stileid.u32;
	s16 =	simm.s32 $0x10800  }
0x5: {  	s17 =	simm.s32 $0x10000;
	s18 =	simm.s32 $0x8000;
	s19 =	simm.s32 $0x1  }
0x6: {  	s20 =	simm.s32 $0x2;
	s21 =	simm.s32 $0x3;
	s22 =	simm.s32 $0x4  }
0x7: {  	s23 =	simm.s32 $0x0;
	s14 =	sand.u32 $0x1, s2;
	s2 =	simm.s32 $0x0  }
0x8: {  	s3 =	sshll.u32 s1, $0xB;
	s15 =	sshll.u32 s1, $0x12;
	s5 =	sshll.u32 s14, $0xA  }
0x9: {  	[smem:$0x7FF] =	sst s2;
	s6 =	ssub.s32 $0x2, s14;
	s14 =	sshll.u32 s14, $0x11  }
0xa: {  	s5 =	sor.u32 s5, s3;
	_ =	strace $0x8000004A;
	s8 =	sshrl.u32 s6, $0x1  }
0xb: {  	s3 =	sshrl.u32 s5, $0x3;
	s8 =	ssub.s32 s6, s8;
	s9 =	sshll.u32 s5, $0x7  }
0xc: {  	s7 =	sadd.s32 s3, s4;
	s3 =	sadd.s32 $0x2400, s4;
	s4 =	sadd.s32 $0x2600, s4  }
.Ltmp0:
0xd: {  	s6 =	sadd.s32 s12, s9;
	s10 =	sor.u32 $0x1000, s9;
	(pc) =	sbr.rel .LBB2_1-.Ltmp0, $4  }
0xe: {  	s8 =	smax.u32 s8, $0x1;
	s5 =	sadd.s32 $0x1400, s7;
	s7 =	sadd.s32 s13, s9  }
0xf: {  	s9 =	sadd.s32 s12, s10;
	s10 =	sadd.s32 s13, s10;
	s13 =	sadd.s32 s15, s13  }
0x10: {  	s11 =	sadd.s32 $0x2000, s6;
	s15 =	sadd.s32 s15, s12;
	s12 =	sadd.s32 s14, s13  }
0x11: {  	s13 =	sadd.s32 s14, s15;
	s14 =	simm.s32 $0x10400;
	s15 =	simm.s32 $0x5  }
.LBB2_4:
0x12: {  	s23 =	sadd.s32 $0x1, s23  }
0x13: {  	p0 =	sne.s32 s23, s8  }
.Ltmp1:
0x14: {  	_ = 	snop;
	(pc) =	sbr.rel @!p0 .LBB2_5-.Ltmp1, $4  }
0x15: {  	_ = 	snop  }
0x16: {  	_ =	swait.ge [sflag:s22], $0x8000  }
0x17: {  	[sflag:s22] =	ssyncset.done $0x0  }
0x18: {  	[sflag:s22] =	ssyncadd.s32 $0xFFFF8000  }
.LBB2_1:
0x19: {  	[tilespmem:s14], [sflag:$0x5] =	stream.linear.gather [hbm4b:s3+s2], $0x400, $0x38;
	[tilespmem:$0x10C00] =	vst v63  }
0x1a: {  	_ =	swait.ge [sflag:s15], $0x400  }
0x1b: {  	[sflag:s15] =	ssyncset.done $0x0  }
0x1c: {  	[sflag:s15] =	ssyncadd.s32 $0xFFFFFC00  }
0x1d: {  	[tilespmem:s16], [sflag:$0x5] =	stream.linear.gather [hbm4b:s4+s2], $0x400, $0x38;
	[tilespmem:$0x10C00] =	vst v63  }
0x1e: {  	_ =	swait.ge [sflag:s15], $0x400  }
0x1f: {  	[sflag:s15] =	ssyncset.done $0x0  }
0x20: {  	[sflag:s15] =	ssyncadd.s32 $0xFFFFFC00  }
0x21: {  	[tilespmem:s17], [sflag:$0x5] =	stream.linear.gather [hbm4b:s5+s2], $0x400, $0x38;
	[tilespmem:$0x10C00] =	vst v63  }
0x22: {  	_ =	swait.ge [sflag:s15], $0x400  }
0x23: {  	[sflag:s15] =	ssyncset.done $0x0  }
0x24: {  	[sflag:s15] =	ssyncadd.s32 $0xFFFFFC00  }
0x25: {  	[tilespmem:s2], [sflag:$0x1] =	stream.linear.gather [hbm4b:s6+s2], $0x8000, $0x38;
	[tilespmem:$0x10C00] =	vst v63  }
0x26: {  	_ = 	snop  }
0x27: {  	[tilespmem:s18], [sflag:$0x2] =	stream.linear.gather [hbm4b:s9+s2], $0x8000, $0x38;
	[tilespmem:$0x10C00] =	vst v63  }
0x28: {  	_ =	swait.ge [sflag:s19], $0x8000  }
0x29: {  	[sflag:s19] =	ssyncset.done $0x0  }
0x2a: {  	[sflag:s19] =	ssyncadd.s32 $0xFFFF8000  }
0x2b: {  	[hbm4b:s7+s2] =	stream.linear.scatter [tilespmem:s2], [sflag:$0x3], $0x8000, $0x38;
	[tilespmem:$0x10C00] =	vst v63  }
0x2c: {  	_ =	swait.ge [sflag:s20], $0x8000  }
0x2d: {  	[sflag:s20] =	ssyncset.done $0x0  }
0x2e: {  	[sflag:s20] =	ssyncadd.s32 $0xFFFF8000  }
0x2f: {  	[hbm4b:s10+s2] =	stream.linear.scatter [tilespmem:s18], [sflag:$0x4], $0x8000, $0x38;
	[tilespmem:$0x10C00] =	vst v63  }
0x30: {  	_ =	swait.ge [sflag:s21], $0x8000  }
0x31: {  	[sflag:s21] =	ssyncset.done $0x0  }
0x32: {  	s24 =	simm.s32 $0x0;
	[sflag:s21] =	ssyncadd.s32 $0xFFFF8000  }
0x33: {  	[tilespmem:s2], [sflag:$0x1] =	stream.linear.gather [hbm4b:s11+s2], $0x8000, $0x38;
	[tilespmem:$0x10C00] =	vst v63  }
.LBB2_2:
0x34: {  	_ =	swait.ge [sflag:s22], $0x8000  }
0x35: {  	s25 =	sadd.s32 s24, s13;
	[sflag:s22] =	ssyncset.done $0x0  }
0x36: {  	s26 =	sadd.s32 $0x3000, s25;
	[sflag:s22] =	ssyncadd.s32 $0xFFFF8000  }
0x37: {  	[tilespmem:s18], [sflag:$0x2] =	stream.linear.gather [hbm4b:s26+s2], $0x8000, $0x38;
	[tilespmem:$0x10C00] =	vst v63  }
0x38: {  	_ =	swait.ge [sflag:s19], $0x8000  }
0x39: {  	s31 =	sadd.s32 s24, s12;
	[sflag:s19] =	ssyncset.done $0x0  }
0x3a: {  	s28 =	sadd.s32 $0x2000, s31;
	[sflag:s19] =	ssyncadd.s32 $0xFFFF8000  }
0x3b: {  	[hbm4b:s28+s2] =	stream.linear.scatter [tilespmem:s2], [sflag:$0x3], $0x8000, $0x38;
	[tilespmem:$0x10C00] =	vst v63  }
0x3c: {  	_ =	swait.ge [sflag:s20], $0x8000  }
0x3d: {  	p0 =	seq.s32 s24, $0x1C000;
	[sflag:s20] =	ssyncset.done $0x0  }
.Ltmp2:
0x3e: {  	s26 =	sadd.s32 $0x3000, s31;
	[sflag:s20] =	ssyncadd.s32 $0xFFFF8000;
	(pc) =	sbr.rel @p0 .LBB2_4-.Ltmp2, $4  }
0x3f: {  	[hbm4b:s26+s2] =	stream.linear.scatter [tilespmem:s18], [sflag:$0x4], $0x8000, $0x38;
	[tilespmem:$0x10C00] =	vst v63  }
0x40: {  	_ =	swait.ge [sflag:s21], $0x8000  }
0x41: {  	[sflag:s21] =	ssyncset.done $0x0  }
0x42: {  	[sflag:s21] =	ssyncadd.s32 $0xFFFF8000  }
.Ltmp3:
0x43: {  	(pc) =	sbr.rel .LBB2_2-.Ltmp3, $3  }
0x44: {  	_ =	sdelay $0x1  }
0x45: {  	s25 =	sadd.s32 $0x4000, s25;
	s24 =	sadd.s32 $0x2000, s24  }
0x46: {  	[tilespmem:s2], [sflag:$0x1] =	stream.linear.gather [hbm4b:s25+s2], $0x8000, $0x38;
	[tilespmem:$0x10C00] =	vst v63  }
.LBB2_5:
0x47: {  	_ =	sfence.sel $0x180000  }
0x48: {  	[bflag:$0x0] =	sbarrier.arrive $0xFFFF  }
0x49: {  	p0 =	sne.s32 s1, $0x0;
	_ =	strace $0x9000004A  }
0x4a: {  	s0 =	sadd.s32 @!p0 $0x100000, s0;
	[bflag:$0x2] =	sbarrier.arrive $0xFFFF  }
0x4b: {  	[sflag:s0] =	ssyncadd.tile.s32 @!p0 $0x1;
	_ =	shalt  }
.Lfunc_end2:
_tile_overlayer_lowered:
.L_overlay_start_2:
0x4c: {  	(tag) =	ssettag $0x2  }
0x4d: {  	s0 =	rddreg [dreg:$0x0];
	s2 =	stileid.u32  }
0x4e: {  	s1 =	rddreg [dreg:$0x1];
	p0 =	sne.s32 s2, $0x0  }
0x4f: {  	s3 =	rddreg [dreg:$0x2];
	[bflag:$0x3] =	sbarrier.arrive $0xFFFF;
	s2 =	simm.s32 @!p0 $0x1C05  }
0x50: {  	[timem:s3], [sflag:s2] =	dma.local @!p0 [hbm:s0], s1  }
0x51: {  	s0 =	simm.s32 @!p0 $0x5  }
0x52: {  	_ =	swait.ge @!p0 [sflag:s0], s1  }
0x53: {  	s1 =	ssub.s32 @!p0 $0x0, s1;
	[sflag:s0] =	ssyncset.done @!p0 $0x0  }
0x54: {  	[sflag:s0] =	ssyncadd.s32 @!p0 s1  }
0x55: {  	[bflag:$0x3] =	sbarrier.arrive $0xFFFF  }
0x56: {  	_ =	shalt  }

</sc_bundles>
